<compile_context>
chip_gen: v7x
topology: tpu7x:2x2x1
jax: 0.10.2.dev20260603
libtpu: 0.0.44.dev20260713+nightly
codegen_flags: <defaults>
</compile_context>

<pallas_src>
import functools

import jax
import jax.numpy as jnp
from jax import lax
from jax.experimental import pallas as pl
from jax.experimental.pallas import tpu as pltpu
from jax.experimental.pallas import tpu_sc as plsc

_NUM_CORES = 2
_NUM_SUBCORES = 16
_NW = _NUM_CORES * _NUM_SUBCORES
_CHUNK = 128


@functools.partial(jax.jit, static_argnums=(3, 4, 5))
def _gather_rows(idx, cos_i, sin_i, n_ch, chunk, dw):
    n = _NW * n_ch * chunk
    per_w = n_ch * chunk
    n_pass = 2
    ch_pp = n_ch // n_pass
    rows_pp = ch_pp * chunk
    out_t = jax.ShapeDtypeStruct((n, dw), jnp.int32)
    mesh = plsc.VectorSubcoreMesh(core_axis_name="c", subcore_axis_name="s")

    @functools.partial(
        pl.kernel,
        mesh=mesh,
        out_type=(out_t, out_t),
        scratch_types=[
            pltpu.VMEM((n_ch, chunk), jnp.int32),
            pltpu.VMEM((rows_pp, dw), jnp.int32),
            pltpu.VMEM((rows_pp, dw), jnp.int32),
            pltpu.SemaphoreType.DMA,
        ],
        compiler_params=pltpu.CompilerParams(use_tc_tiling_on_sc=False),
    )
    def body(idx_hbm, cos_hbm, sin_hbm, cos_out, sin_out, idx_v, cos_v, sin_v, sem):
        wid = lax.axis_index("s") * _NUM_CORES + lax.axis_index("c")
        pltpu.sync_copy(idx_hbm.at[wid], idx_v)
        base = wid * per_w
        for p in range(n_pass):
            copies = []
            for j in range(ch_pp):
                c = p * ch_pp + j
                copies.append(pltpu.async_copy(
                    cos_hbm.at[idx_v.at[c]], cos_v.at[pl.ds(j * chunk, chunk)], sem))
                copies.append(pltpu.async_copy(
                    sin_hbm.at[idx_v.at[c]], sin_v.at[pl.ds(j * chunk, chunk)], sem))
            for cp in copies:
                cp.wait()
            pltpu.sync_copy(cos_v, cos_out.at[pl.ds(base + p * rows_pp, rows_pp)])
            pltpu.sync_copy(sin_v, sin_out.at[pl.ds(base + p * rows_pp, rows_pp)])

    return body(idx, cos_i, sin_i)


def _pack_table(tab):
    v, d = tab.shape
    return lax.bitcast_convert_type(
        jnp.repeat(tab, 2, axis=1).reshape(v, d, 2), jnp.int32)


def _widen_body(cos_ref, sin_ref, cos_out, sin_out):
    bm, d = cos_out.shape

    def widen(x):
        a = x[:, :d]
        b = x[:, d:]
        return (a & 0xFFFF) | jnp.bitwise_and(b, jnp.int32(-65536))

    cos_out.bitcast(jnp.int32)[...] = widen(cos_ref[...])
    sin_out.bitcast(jnp.int32)[...] = widen(sin_ref[...])


def _widen_to_f16(cos_r, sin_r, b, s, d, block_rows=2048):
    n2, _ = cos_r.shape
    n = 2 * n2
    grid = n // block_rows
    out_t = jax.ShapeDtypeStruct((n, d), jnp.float16)
    in_spec = pl.BlockSpec((block_rows // 2, 2 * d), lambda i: (i, 0))
    out_spec = pl.BlockSpec((block_rows, d), lambda i: (i, 0))
    return pl.pallas_call(
        _widen_body,
        grid=(grid,),
        in_specs=[in_spec, in_spec],
        out_specs=[out_spec, out_spec],
        out_shape=(out_t, out_t),
    )(cos_r, sin_r)


def kernel(position_ids, cos_cached, sin_cached):
    b, s = position_ids.shape
    v, d = cos_cached.shape
    n = b * s
    per_w = n // _NW
    n_ch = per_w // _CHUNK
    idx = position_ids.reshape(_NW, n_ch, _CHUNK)
    cos_i = _pack_table(cos_cached)
    sin_i = _pack_table(sin_cached)
    cos_r, sin_r = _gather_rows(idx, cos_i, sin_i, n_ch, _CHUNK, d)
    cos_f, sin_f = _widen_to_f16(cos_r.reshape(n // 2, 2 * d),
                                 sin_r.reshape(n // 2, 2 * d), b, s, d)
    return cos_f.reshape(b, s, d), sin_f.reshape(b, s, d)

# --- scband reference (transcript-rebuilt; emitter-appended) ---
"""Pipeline reference for scband-rotary-embedding-65343632441680 (READ-ONLY COPY).

The authoritative reference and input builder live on the scoring server;
editing this copy changes nothing except your own understanding.
"""

import jax, jax.numpy as jnp
import numpy as np

HEAD_DIM = 128
MAX_SEQ_LEN = 8192
BASE = 10000.0
BATCH = 4
SEQ_LEN = 8192


def setup_inputs(seed: int = 0) -> dict:
    key = jax.random.key(seed)
    # Precompute rotary caches exactly as the torch module __init__ does
    inv_freq = 1.0 / (BASE ** (np.arange(0, HEAD_DIM, 2).astype(np.float32) / HEAD_DIM))
    t = np.arange(MAX_SEQ_LEN).astype(np.float32)
    freqs = np.outer(t, inv_freq)
    cos_cached = jnp.asarray(np.cos(freqs), dtype=jnp.float16)
    sin_cached = jnp.asarray(np.sin(freqs), dtype=jnp.float16)
    position_ids = jax.random.randint(key, (BATCH, SEQ_LEN), 0, MAX_SEQ_LEN, dtype=jnp.int32)
    return {"position_ids": position_ids, "cos_cached": cos_cached, "sin_cached": sin_cached}


def reference(position_ids, cos_cached, sin_cached):
    # cos = self.cos_cached[position_ids]; sin = self.sin_cached[position_ids]
    cos = jnp.take(cos_cached, position_ids, axis=0)
    sin = jnp.take(sin_cached, position_ids, axis=0)
    return (cos, sin)

if __name__ == "__main__":
    import jax
    _d = setup_inputs()
    print(jax.jit(kernel)(*tuple(_d.values())))

</pallas_src>

<mosaic_0001>
#map = affine_map<(d0, d1) -> (0, 0, 0)>
#map1 = affine_map<(d0, d1) -> (0, 0)>
module attributes {stable_mosaic.version = 14 : i64} {
  func.func @body(%arg0: i32, %arg1: i32, %arg2: memref<32x8x128xi32, #tpu.memory_space<hbm>>, %arg3: memref<8192x64xi32, #tpu.memory_space<hbm>>, %arg4: memref<8192x64xi32, #tpu.memory_space<hbm>>, %arg5: memref<32768x64xi32, #tpu.memory_space<hbm>>, %arg6: memref<32768x64xi32, #tpu.memory_space<hbm>>, %arg7: memref<8x128xi32, #tpu.memory_space<vmem>>, %arg8: memref<512x64xi32, #tpu.memory_space<vmem>>, %arg9: memref<512x64xi32, #tpu.memory_space<vmem>>, %arg10: memref<!tpu.dma_semaphore, #tpu.memory_space<semaphore_mem>>) attributes {dimension_semantics = [#tpu.dimension_semantics<core_parallel>, #tpu.dimension_semantics<subcore_parallel>], iteration_bounds = array<i64: 2, 16>, scalar_prefetch = 0 : i64, scratch_operands = 4 : i64, tpu.core_type = #tpu.core_type<sc_vector_subcore>, window_params = [{transform_indices = #map}, {transform_indices = #map1}, {transform_indices = #map1}, {transform_indices = #map1}, {transform_indices = #map1}]} {
    %mul3A = arith.constant 2 : i32
    %mul3A_0 = arith.muli %arg1, %mul3A : i32
    %add3A = arith.addi %mul3A_0, %arg0 : i32
    "tpu.region"() ({
      %run_scoped3A = tpu.sem_alloc : memref<!tpu.dma_semaphore, #tpu.memory_space<semaphore_mem>>
      %dma_start3A_329 = arith.constant 0 : i32
      %dma_start3A_330 = arith.constant 0 : i32
      %dma_start3A_331 = tpu.memref_slice %arg2[%add3A, %dma_start3A_329, %dma_start3A_330] : memref<32x8x128xi32, #tpu.memory_space<hbm>> -> memref<1x8x128xi32, #tpu.memory_space<hbm>>
      %dma_start3A_332 = tpu.memref_squeeze %dma_start3A_331 : memref<1x8x128xi32, #tpu.memory_space<hbm>> -> memref<8x128xi32, #tpu.memory_space<hbm>>
      %dma_start3A_333 = arith.constant 0 : i32
      %dma_start3A_334 = arith.constant 0 : i32
      %dma_start3A_335 = tpu.memref_slice %arg2[%add3A, %dma_start3A_333, %dma_start3A_334] : memref<32x8x128xi32, #tpu.memory_space<hbm>> -> memref<1x8x128xi32, #tpu.memory_space<hbm>>
      %dma_start3A_336 = tpu.memref_squeeze %dma_start3A_335 : memref<1x8x128xi32, #tpu.memory_space<hbm>> -> memref<8x128xi32, #tpu.memory_space<hbm>>
      tpu.enqueue_dma source(%dma_start3A_336 : memref<8x128xi32, #tpu.memory_space<hbm>>) target(%arg7 : memref<8x128xi32, #tpu.memory_space<vmem>>) target_semaphore(%run_scoped3A : memref<!tpu.dma_semaphore, #tpu.memory_space<semaphore_mem>>)
      %dma_wait3A_337 = arith.constant 0 : i32
      %dma_wait3A_338 = arith.constant 0 : i32
      %dma_wait3A_339 = tpu.memref_slice %arg2[%add3A, %dma_wait3A_337, %dma_wait3A_338] : memref<32x8x128xi32, #tpu.memory_space<hbm>> -> memref<1x8x128xi32, #tpu.memory_space<hbm>>
      %dma_wait3A_340 = tpu.memref_squeeze %dma_wait3A_339 : memref<1x8x128xi32, #tpu.memory_space<hbm>> -> memref<8x128xi32, #tpu.memory_space<hbm>>
      %dma_wait3A_341 = arith.constant 0 : i32
      %dma_wait3A_342 = arith.constant 0 : i32
      %dma_wait3A_343 = tpu.memref_slice %arg2[%add3A, %dma_wait3A_341, %dma_wait3A_342] : memref<32x8x128xi32, #tpu.memory_space<hbm>> -> memref<1x8x128xi32, #tpu.memory_space<hbm>>
      %dma_wait3A_344 = tpu.memref_squeeze %dma_wait3A_343 : memref<1x8x128xi32, #tpu.memory_space<hbm>> -> memref<8x128xi32, #tpu.memory_space<hbm>>
      tpu.wait_dma2 semaphore(%run_scoped3A : memref<!tpu.dma_semaphore, #tpu.memory_space<semaphore_mem>>) src(%dma_wait3A_344 : memref<8x128xi32, #tpu.memory_space<hbm>>) dst(%arg7 : memref<8x128xi32, #tpu.memory_space<vmem>>)
      tpu.yield
    }) : () -> ()
    %mul3A_1 = arith.constant 1024 : i32
    %mul3A_2 = arith.muli %add3A, %mul3A_1 : i32
    %dma_start3A = arith.constant 0 : i32
    %dma_start3A_3 = arith.constant 0 : i32
    %dma_start3A_4 = arith.constant 0 : i32
    %dma_start3A_5 = tpu.memref_slice %arg8[%dma_start3A_3, %dma_start3A_4] : memref<512x64xi32, #tpu.memory_space<vmem>> -> memref<128x64xi32, #tpu.memory_space<vmem>>
    %dma_start3A_6 = arith.constant 0 : i32
    %dma_start3A_7 = tpu.memref_slice %arg7[%dma_start3A, %dma_start3A_6] : memref<8x128xi32, #tpu.memory_space<vmem>> -> memref<1x128xi32, #tpu.memory_space<vmem>>
    %dma_start3A_8 = tpu.memref_squeeze %dma_start3A_7 : memref<1x128xi32, #tpu.memory_space<vmem>> -> memref<128xi32, #tpu.memory_space<vmem>>
    %dma_start3A_9 = arith.constant 0 : i32
    %dma_start3A_10 = arith.constant 0 : i32
    %dma_start3A_11 = tpu.memref_slice %arg3[%dma_start3A_9, %dma_start3A_10] : memref<8192x64xi32, #tpu.memory_space<hbm>> -> memref<8192x64xi32, #tpu.memory_space<hbm>>
    tpu.enqueue_indirect_dma source(%dma_start3A_11 : memref<8192x64xi32, #tpu.memory_space<hbm>>) target(%dma_start3A_5 : memref<128x64xi32, #tpu.memory_space<vmem>>) offsets(%dma_start3A_8 : memref<128xi32, #tpu.memory_space<vmem>>) semaphore(%arg10 : memref<!tpu.dma_semaphore, #tpu.memory_space<semaphore_mem>>)
    %dma_start3A_12 = arith.constant 0 : i32
    %dma_start3A_13 = arith.constant 0 : i32
    %dma_start3A_14 = arith.constant 0 : i32
    %dma_start3A_15 = tpu.memref_slice %arg9[%dma_start3A_13, %dma_start3A_14] : memref<512x64xi32, #tpu.memory_space<vmem>> -> memref<128x64xi32, #tpu.memory_space<vmem>>
    %dma_start3A_16 = arith.constant 0 : i32
    %dma_start3A_17 = tpu.memref_slice %arg7[%dma_start3A_12, %dma_start3A_16] : memref<8x128xi32, #tpu.memory_space<vmem>> -> memref<1x128xi32, #tpu.memory_space<vmem>>
    %dma_start3A_18 = tpu.memref_squeeze %dma_start3A_17 : memref<1x128xi32, #tpu.memory_space<vmem>> -> memref<128xi32, #tpu.memory_space<vmem>>
    %dma_start3A_19 = arith.constant 0 : i32
    %dma_start3A_20 = arith.constant 0 : i32
    %dma_start3A_21 = tpu.memref_slice %arg4[%dma_start3A_19, %dma_start3A_20] : memref<8192x64xi32, #tpu.memory_space<hbm>> -> memref<8192x64xi32, #tpu.memory_space<hbm>>
    tpu.enqueue_indirect_dma source(%dma_start3A_21 : memref<8192x64xi32, #tpu.memory_space<hbm>>) target(%dma_start3A_15 : memref<128x64xi32, #tpu.memory_space<vmem>>) offsets(%dma_start3A_18 : memref<128xi32, #tpu.memory_space<vmem>>) semaphore(%arg10 : memref<!tpu.dma_semaphore, #tpu.memory_space<semaphore_mem>>)
    %dma_start3A_22 = arith.constant 1 : i32
    %dma_start3A_23 = arith.constant 128 : i32
    %dma_start3A_24 = arith.constant 0 : i32
    %dma_start3A_25 = tpu.memref_slice %arg8[%dma_start3A_23, %dma_start3A_24] : memref<512x64xi32, #tpu.memory_space<vmem>> -> memref<128x64xi32, #tpu.memory_space<vmem>>
    %dma_start3A_26 = arith.constant 0 : i32
    %dma_start3A_27 = tpu.memref_slice %arg7[%dma_start3A_22, %dma_start3A_26] : memref<8x128xi32, #tpu.memory_space<vmem>> -> memref<1x128xi32, #tpu.memory_space<vmem>>
    %dma_start3A_28 = tpu.memref_squeeze %dma_start3A_27 : memref<1x128xi32, #tpu.memory_space<vmem>> -> memref<128xi32, #tpu.memory_space<vmem>>
    %dma_start3A_29 = arith.constant 0 : i32
    %dma_start3A_30 = arith.constant 0 : i32
    %dma_start3A_31 = tpu.memref_slice %arg3[%dma_start3A_29, %dma_start3A_30] : memref<8192x64xi32, #tpu.memory_space<hbm>> -> memref<8192x64xi32, #tpu.memory_space<hbm>>
    tpu.enqueue_indirect_dma source(%dma_start3A_31 : memref<8192x64xi32, #tpu.memory_space<hbm>>) target(%dma_start3A_25 : memref<128x64xi32, #tpu.memory_space<vmem>>) offsets(%dma_start3A_28 : memref<128xi32, #tpu.memory_space<vmem>>) semaphore(%arg10 : memref<!tpu.dma_semaphore, #tpu.memory_space<semaphore_mem>>)
    %dma_start3A_32 = arith.constant 1 : i32
    %dma_start3A_33 = arith.constant 128 : i32
    %dma_start3A_34 = arith.constant 0 : i32
    %dma_start3A_35 = tpu.memref_slice %arg9[%dma_start3A_33, %dma_start3A_34] : memref<512x64xi32, #tpu.memory_space<vmem>> -> memref<128x64xi32, #tpu.memory_space<vmem>>
    %dma_start3A_36 = arith.constant 0 : i32
    %dma_start3A_37 = tpu.memref_slice %arg7[%dma_start3A_32, %dma_start3A_36] : memref<8x128xi32, #tpu.memory_space<vmem>> -> memref<1x128xi32, #tpu.memory_space<vmem>>
    %dma_start3A_38 = tpu.memref_squeeze %dma_start3A_37 : memref<1x128xi32, #tpu.memory_space<vmem>> -> memref<128xi32, #tpu.memory_space<vmem>>
    %dma_start3A_39 = arith.constant 0 : i32
    %dma_start3A_40 = arith.constant 0 : i32
    %dma_start3A_41 = tpu.memref_slice %arg4[%dma_start3A_39, %dma_start3A_40] : memref<8192x64xi32, #tpu.memory_space<hbm>> -> memref<8192x64xi32, #tpu.memory_space<hbm>>
    tpu.enqueue_indirect_dma source(%dma_start3A_41 : memref<8192x64xi32, #tpu.memory_space<hbm>>) target(%dma_start3A_35 : memref<128x64xi32, #tpu.memory_space<vmem>>) offsets(%dma_start3A_38 : memref<128xi32, #tpu.memory_space<vmem>>) semaphore(%arg10 : memref<!tpu.dma_semaphore, #tpu.memory_space<semaphore_mem>>)
    %dma_start3A_42 = arith.constant 2 : i32
    %dma_start3A_43 = arith.constant 256 : i32
    %dma_start3A_44 = arith.constant 0 : i32
    %dma_start3A_45 = tpu.memref_slice %arg8[%dma_start3A_43, %dma_start3A_44] : memref<512x64xi32, #tpu.memory_space<vmem>> -> memref<128x64xi32, #tpu.memory_space<vmem>>
    %dma_start3A_46 = arith.constant 0 : i32
    %dma_start3A_47 = tpu.memref_slice %arg7[%dma_start3A_42, %dma_start3A_46] : memref<8x128xi32, #tpu.memory_space<vmem>> -> memref<1x128xi32, #tpu.memory_space<vmem>>
    %dma_start3A_48 = tpu.memref_squeeze %dma_start3A_47 : memref<1x128xi32, #tpu.memory_space<vmem>> -> memref<128xi32, #tpu.memory_space<vmem>>
    %dma_start3A_49 = arith.constant 0 : i32
    %dma_start3A_50 = arith.constant 0 : i32
    %dma_start3A_51 = tpu.memref_slice %arg3[%dma_start3A_49, %dma_start3A_50] : memref<8192x64xi32, #tpu.memory_space<hbm>> -> memref<8192x64xi32, #tpu.memory_space<hbm>>
    tpu.enqueue_indirect_dma source(%dma_start3A_51 : memref<8192x64xi32, #tpu.memory_space<hbm>>) target(%dma_start3A_45 : memref<128x64xi32, #tpu.memory_space<vmem>>) offsets(%dma_start3A_48 : memref<128xi32, #tpu.memory_space<vmem>>) semaphore(%arg10 : memref<!tpu.dma_semaphore, #tpu.memory_space<semaphore_mem>>)
    %dma_start3A_52 = arith.constant 2 : i32
    %dma_start3A_53 = arith.constant 256 : i32
    %dma_start3A_54 = arith.constant 0 : i32
    %dma_start3A_55 = tpu.memref_slice %arg9[%dma_start3A_53, %dma_start3A_54] : memref<512x64xi32, #tpu.memory_space<vmem>> -> memref<128x64xi32, #tpu.memory_space<vmem>>
    %dma_start3A_56 = arith.constant 0 : i32
    %dma_start3A_57 = tpu.memref_slice %arg7[%dma_start3A_52, %dma_start3A_56] : memref<8x128xi32, #tpu.memory_space<vmem>> -> memref<1x128xi32, #tpu.memory_space<vmem>>
    %dma_start3A_58 = tpu.memref_squeeze %dma_start3A_57 : memref<1x128xi32, #tpu.memory_space<vmem>> -> memref<128xi32, #tpu.memory_space<vmem>>
    %dma_start3A_59 = arith.constant 0 : i32
    %dma_start3A_60 = arith.constant 0 : i32
    %dma_start3A_61 = tpu.memref_slice %arg4[%dma_start3A_59, %dma_start3A_60] : memref<8192x64xi32, #tpu.memory_space<hbm>> -> memref<8192x64xi32, #tpu.memory_space<hbm>>
    tpu.enqueue_indirect_dma source(%dma_start3A_61 : memref<8192x64xi32, #tpu.memory_space<hbm>>) target(%dma_start3A_55 : memref<128x64xi32, #tpu.memory_space<vmem>>) offsets(%dma_start3A_58 : memref<128xi32, #tpu.memory_space<vmem>>) semaphore(%arg10 : memref<!tpu.dma_semaphore, #tpu.memory_space<semaphore_mem>>)
    %dma_start3A_62 = arith.constant 3 : i32
    %dma_start3A_63 = arith.constant 384 : i32
    %dma_start3A_64 = arith.constant 0 : i32
    %dma_start3A_65 = tpu.memref_slice %arg8[%dma_start3A_63, %dma_start3A_64] : memref<512x64xi32, #tpu.memory_space<vmem>> -> memref<128x64xi32, #tpu.memory_space<vmem>>
    %dma_start3A_66 = arith.constant 0 : i32
    %dma_start3A_67 = tpu.memref_slice %arg7[%dma_start3A_62, %dma_start3A_66] : memref<8x128xi32, #tpu.memory_space<vmem>> -> memref<1x128xi32, #tpu.memory_space<vmem>>
    %dma_start3A_68 = tpu.memref_squeeze %dma_start3A_67 : memref<1x128xi32, #tpu.memory_space<vmem>> -> memref<128xi32, #tpu.memory_space<vmem>>
    %dma_start3A_69 = arith.constant 0 : i32
    %dma_start3A_70 = arith.constant 0 : i32
    %dma_start3A_71 = tpu.memref_slice %arg3[%dma_start3A_69, %dma_start3A_70] : memref<8192x64xi32, #tpu.memory_space<hbm>> -> memref<8192x64xi32, #tpu.memory_space<hbm>>
    tpu.enqueue_indirect_dma source(%dma_start3A_71 : memref<8192x64xi32, #tpu.memory_space<hbm>>) target(%dma_start3A_65 : memref<128x64xi32, #tpu.memory_space<vmem>>) offsets(%dma_start3A_68 : memref<128xi32, #tpu.memory_space<vmem>>) semaphore(%arg10 : memref<!tpu.dma_semaphore, #tpu.memory_space<semaphore_mem>>)
    %dma_start3A_72 = arith.constant 3 : i32
    %dma_start3A_73 = arith.constant 384 : i32
    %dma_start3A_74 = arith.constant 0 : i32
    %dma_start3A_75 = tpu.memref_slice %arg9[%dma_start3A_73, %dma_start3A_74] : memref<512x64xi32, #tpu.memory_space<vmem>> -> memref<128x64xi32, #tpu.memory_space<vmem>>
    %dma_start3A_76 = arith.constant 0 : i32
    %dma_start3A_77 = tpu.memref_slice %arg7[%dma_start3A_72, %dma_start3A_76] : memref<8x128xi32, #tpu.memory_space<vmem>> -> memref<1x128xi32, #tpu.memory_space<vmem>>
    %dma_start3A_78 = tpu.memref_squeeze %dma_start3A_77 : memref<1x128xi32, #tpu.memory_space<vmem>> -> memref<128xi32, #tpu.memory_space<vmem>>
    %dma_start3A_79 = arith.constant 0 : i32
    %dma_start3A_80 = arith.constant 0 : i32
    %dma_start3A_81 = tpu.memref_slice %arg4[%dma_start3A_79, %dma_start3A_80] : memref<8192x64xi32, #tpu.memory_space<hbm>> -> memref<8192x64xi32, #tpu.memory_space<hbm>>
    tpu.enqueue_indirect_dma source(%dma_start3A_81 : memref<8192x64xi32, #tpu.memory_space<hbm>>) target(%dma_start3A_75 : memref<128x64xi32, #tpu.memory_space<vmem>>) offsets(%dma_start3A_78 : memref<128xi32, #tpu.memory_space<vmem>>) semaphore(%arg10 : memref<!tpu.dma_semaphore, #tpu.memory_space<semaphore_mem>>)
    %dma_wait3A = arith.constant 0 : i32
    %dma_wait3A_82 = arith.constant 0 : i32
    %dma_wait3A_83 = arith.constant 0 : i32
    %dma_wait3A_84 = tpu.memref_slice %arg8[%dma_wait3A_82, %dma_wait3A_83] : memref<512x64xi32, #tpu.memory_space<vmem>> -> memref<128x64xi32, #tpu.memory_space<vmem>>
    %dma_wait3A_85 = arith.constant 0 : i32
    %dma_wait3A_86 = tpu.memref_slice %arg7[%dma_wait3A, %dma_wait3A_85] : memref<8x128xi32, #tpu.memory_space<vmem>> -> memref<1x128xi32, #tpu.memory_space<vmem>>
    %dma_wait3A_87 = tpu.memref_squeeze %dma_wait3A_86 : memref<1x128xi32, #tpu.memory_space<vmem>> -> memref<128xi32, #tpu.memory_space<vmem>>
    %dma_wait3A_88 = arith.constant 0 : i32
    %dma_wait3A_89 = arith.constant 0 : i32
    %dma_wait3A_90 = tpu.memref_slice %arg3[%dma_wait3A_88, %dma_wait3A_89] : memref<8192x64xi32, #tpu.memory_space<hbm>> -> memref<8192x64xi32, #tpu.memory_space<hbm>>
    tpu.wait_indirect_dma semaphore(%arg10 : memref<!tpu.dma_semaphore, #tpu.memory_space<semaphore_mem>>) src(%dma_wait3A_90 : memref<8192x64xi32, #tpu.memory_space<hbm>>) dst(%dma_wait3A_84 : memref<128x64xi32, #tpu.memory_space<vmem>>)
    %dma_wait3A_91 = arith.constant 0 : i32
    %dma_wait3A_92 = arith.constant 0 : i32
    %dma_wait3A_93 = arith.constant 0 : i32
    %dma_wait3A_94 = tpu.memref_slice %arg9[%dma_wait3A_92, %dma_wait3A_93] : memref<512x64xi32, #tpu.memory_space<vmem>> -> memref<128x64xi32, #tpu.memory_space<vmem>>
    %dma_wait3A_95 = arith.constant 0 : i32
    %dma_wait3A_96 = tpu.memref_slice %arg7[%dma_wait3A_91, %dma_wait3A_95] : memref<8x128xi32, #tpu.memory_space<vmem>> -> memref<1x128xi32, #tpu.memory_space<vmem>>
    %dma_wait3A_97 = tpu.memref_squeeze %dma_wait3A_96 : memref<1x128xi32, #tpu.memory_space<vmem>> -> memref<128xi32, #tpu.memory_space<vmem>>
    %dma_wait3A_98 = arith.constant 0 : i32
    %dma_wait3A_99 = arith.constant 0 : i32
    %dma_wait3A_100 = tpu.memref_slice %arg4[%dma_wait3A_98, %dma_wait3A_99] : memref<8192x64xi32, #tpu.memory_space<hbm>> -> memref<8192x64xi32, #tpu.memory_space<hbm>>
    tpu.wait_indirect_dma semaphore(%arg10 : memref<!tpu.dma_semaphore, #tpu.memory_space<semaphore_mem>>) src(%dma_wait3A_100 : memref<8192x64xi32, #tpu.memory_space<hbm>>) dst(%dma_wait3A_94 : memref<128x64xi32, #tpu.memory_space<vmem>>)
    %dma_wait3A_101 = arith.constant 1 : i32
    %dma_wait3A_102 = arith.constant 128 : i32
    %dma_wait3A_103 = arith.constant 0 : i32
    %dma_wait3A_104 = tpu.memref_slice %arg8[%dma_wait3A_102, %dma_wait3A_103] : memref<512x64xi32, #tpu.memory_space<vmem>> -> memref<128x64xi32, #tpu.memory_space<vmem>>
    %dma_wait3A_105 = arith.constant 0 : i32
    %dma_wait3A_106 = tpu.memref_slice %arg7[%dma_wait3A_101, %dma_wait3A_105] : memref<8x128xi32, #tpu.memory_space<vmem>> -> memref<1x128xi32, #tpu.memory_space<vmem>>
    %dma_wait3A_107 = tpu.memref_squeeze %dma_wait3A_106 : memref<1x128xi32, #tpu.memory_space<vmem>> -> memref<128xi32, #tpu.memory_space<vmem>>
    %dma_wait3A_108 = arith.constant 0 : i32
    %dma_wait3A_109 = arith.constant 0 : i32
    %dma_wait3A_110 = tpu.memref_slice %arg3[%dma_wait3A_108, %dma_wait3A_109] : memref<8192x64xi32, #tpu.memory_space<hbm>> -> memref<8192x64xi32, #tpu.memory_space<hbm>>
    tpu.wait_indirect_dma semaphore(%arg10 : memref<!tpu.dma_semaphore, #tpu.memory_space<semaphore_mem>>) src(%dma_wait3A_110 : memref<8192x64xi32, #tpu.memory_space<hbm>>) dst(%dma_wait3A_104 : memref<128x64xi32, #tpu.memory_space<vmem>>)
    %dma_wait3A_111 = arith.constant 1 : i32
    %dma_wait3A_112 = arith.constant 128 : i32
    %dma_wait3A_113 = arith.constant 0 : i32
    %dma_wait3A_114 = tpu.memref_slice %arg9[%dma_wait3A_112, %dma_wait3A_113] : memref<512x64xi32, #tpu.memory_space<vmem>> -> memref<128x64xi32, #tpu.memory_space<vmem>>
    %dma_wait3A_115 = arith.constant 0 : i32
    %dma_wait3A_116 = tpu.memref_slice %arg7[%dma_wait3A_111, %dma_wait3A_115] : memref<8x128xi32, #tpu.memory_space<vmem>> -> memref<1x128xi32, #tpu.memory_space<vmem>>
    %dma_wait3A_117 = tpu.memref_squeeze %dma_wait3A_116 : memref<1x128xi32, #tpu.memory_space<vmem>> -> memref<128xi32, #tpu.memory_space<vmem>>
    %dma_wait3A_118 = arith.constant 0 : i32
    %dma_wait3A_119 = arith.constant 0 : i32
    %dma_wait3A_120 = tpu.memref_slice %arg4[%dma_wait3A_118, %dma_wait3A_119] : memref<8192x64xi32, #tpu.memory_space<hbm>> -> memref<8192x64xi32, #tpu.memory_space<hbm>>
    tpu.wait_indirect_dma semaphore(%arg10 : memref<!tpu.dma_semaphore, #tpu.memory_space<semaphore_mem>>) src(%dma_wait3A_120 : memref<8192x64xi32, #tpu.memory_space<hbm>>) dst(%dma_wait3A_114 : memref<128x64xi32, #tpu.memory_space<vmem>>)
    %dma_wait3A_121 = arith.constant 2 : i32
    %dma_wait3A_122 = arith.constant 256 : i32
    %dma_wait3A_123 = arith.constant 0 : i32
    %dma_wait3A_124 = tpu.memref_slice %arg8[%dma_wait3A_122, %dma_wait3A_123] : memref<512x64xi32, #tpu.memory_space<vmem>> -> memref<128x64xi32, #tpu.memory_space<vmem>>
    %dma_wait3A_125 = arith.constant 0 : i32
    %dma_wait3A_126 = tpu.memref_slice %arg7[%dma_wait3A_121, %dma_wait3A_125] : memref<8x128xi32, #tpu.memory_space<vmem>> -> memref<1x128xi32, #tpu.memory_space<vmem>>
    %dma_wait3A_127 = tpu.memref_squeeze %dma_wait3A_126 : memref<1x128xi32, #tpu.memory_space<vmem>> -> memref<128xi32, #tpu.memory_space<vmem>>
    %dma_wait3A_128 = arith.constant 0 : i32
    %dma_wait3A_129 = arith.constant 0 : i32
    %dma_wait3A_130 = tpu.memref_slice %arg3[%dma_wait3A_128, %dma_wait3A_129] : memref<8192x64xi32, #tpu.memory_space<hbm>> -> memref<8192x64xi32, #tpu.memory_space<hbm>>
    tpu.wait_indirect_dma semaphore(%arg10 : memref<!tpu.dma_semaphore, #tpu.memory_space<semaphore_mem>>) src(%dma_wait3A_130 : memref<8192x64xi32, #tpu.memory_space<hbm>>) dst(%dma_wait3A_124 : memref<128x64xi32, #tpu.memory_space<vmem>>)
    %dma_wait3A_131 = arith.constant 2 : i32
    %dma_wait3A_132 = arith.constant 256 : i32
    %dma_wait3A_133 = arith.constant 0 : i32
    %dma_wait3A_134 = tpu.memref_slice %arg9[%dma_wait3A_132, %dma_wait3A_133] : memref<512x64xi32, #tpu.memory_space<vmem>> -> memref<128x64xi32, #tpu.memory_space<vmem>>
    %dma_wait3A_135 = arith.constant 0 : i32
    %dma_wait3A_136 = tpu.memref_slice %arg7[%dma_wait3A_131, %dma_wait3A_135] : memref<8x128xi32, #tpu.memory_space<vmem>> -> memref<1x128xi32, #tpu.memory_space<vmem>>
    %dma_wait3A_137 = tpu.memref_squeeze %dma_wait3A_136 : memref<1x128xi32, #tpu.memory_space<vmem>> -> memref<128xi32, #tpu.memory_space<vmem>>
    %dma_wait3A_138 = arith.constant 0 : i32
    %dma_wait3A_139 = arith.constant 0 : i32
    %dma_wait3A_140 = tpu.memref_slice %arg4[%dma_wait3A_138, %dma_wait3A_139] : memref<8192x64xi32, #tpu.memory_space<hbm>> -> memref<8192x64xi32, #tpu.memory_space<hbm>>
    tpu.wait_indirect_dma semaphore(%arg10 : memref<!tpu.dma_semaphore, #tpu.memory_space<semaphore_mem>>) src(%dma_wait3A_140 : memref<8192x64xi32, #tpu.memory_space<hbm>>) dst(%dma_wait3A_134 : memref<128x64xi32, #tpu.memory_space<vmem>>)
    %dma_wait3A_141 = arith.constant 3 : i32
    %dma_wait3A_142 = arith.constant 384 : i32
    %dma_wait3A_143 = arith.constant 0 : i32
    %dma_wait3A_144 = tpu.memref_slice %arg8[%dma_wait3A_142, %dma_wait3A_143] : memref<512x64xi32, #tpu.memory_space<vmem>> -> memref<128x64xi32, #tpu.memory_space<vmem>>
    %dma_wait3A_145 = arith.constant 0 : i32
    %dma_wait3A_146 = tpu.memref_slice %arg7[%dma_wait3A_141, %dma_wait3A_145] : memref<8x128xi32, #tpu.memory_space<vmem>> -> memref<1x128xi32, #tpu.memory_space<vmem>>
    %dma_wait3A_147 = tpu.memref_squeeze %dma_wait3A_146 : memref<1x128xi32, #tpu.memory_space<vmem>> -> memref<128xi32, #tpu.memory_space<vmem>>
    %dma_wait3A_148 = arith.constant 0 : i32
    %dma_wait3A_149 = arith.constant 0 : i32
    %dma_wait3A_150 = tpu.memref_slice %arg3[%dma_wait3A_148, %dma_wait3A_149] : memref<8192x64xi32, #tpu.memory_space<hbm>> -> memref<8192x64xi32, #tpu.memory_space<hbm>>
    tpu.wait_indirect_dma semaphore(%arg10 : memref<!tpu.dma_semaphore, #tpu.memory_space<semaphore_mem>>) src(%dma_wait3A_150 : memref<8192x64xi32, #tpu.memory_space<hbm>>) dst(%dma_wait3A_144 : memref<128x64xi32, #tpu.memory_space<vmem>>)
    %dma_wait3A_151 = arith.constant 3 : i32
    %dma_wait3A_152 = arith.constant 384 : i32
    %dma_wait3A_153 = arith.constant 0 : i32
    %dma_wait3A_154 = tpu.memref_slice %arg9[%dma_wait3A_152, %dma_wait3A_153] : memref<512x64xi32, #tpu.memory_space<vmem>> -> memref<128x64xi32, #tpu.memory_space<vmem>>
    %dma_wait3A_155 = arith.constant 0 : i32
    %dma_wait3A_156 = tpu.memref_slice %arg7[%dma_wait3A_151, %dma_wait3A_155] : memref<8x128xi32, #tpu.memory_space<vmem>> -> memref<1x128xi32, #tpu.memory_space<vmem>>
    %dma_wait3A_157 = tpu.memref_squeeze %dma_wait3A_156 : memref<1x128xi32, #tpu.memory_space<vmem>> -> memref<128xi32, #tpu.memory_space<vmem>>
    %dma_wait3A_158 = arith.constant 0 : i32
    %dma_wait3A_159 = arith.constant 0 : i32
    %dma_wait3A_160 = tpu.memref_slice %arg4[%dma_wait3A_158, %dma_wait3A_159] : memref<8192x64xi32, #tpu.memory_space<hbm>> -> memref<8192x64xi32, #tpu.memory_space<hbm>>
    tpu.wait_indirect_dma semaphore(%arg10 : memref<!tpu.dma_semaphore, #tpu.memory_space<semaphore_mem>>) src(%dma_wait3A_160 : memref<8192x64xi32, #tpu.memory_space<hbm>>) dst(%dma_wait3A_154 : memref<128x64xi32, #tpu.memory_space<vmem>>)
    %add3A_161 = arith.constant 0 : i32
    %add3A_162 = arith.addi %mul3A_2, %add3A_161 : i32
    "tpu.region"() ({
      %run_scoped3A = tpu.sem_alloc : memref<!tpu.dma_semaphore, #tpu.memory_space<semaphore_mem>>
      %dma_start3A_329 = arith.constant 0 : i32
      %dma_start3A_330 = tpu.memref_slice %arg5[%add3A_162, %dma_start3A_329] : memref<32768x64xi32, #tpu.memory_space<hbm>> -> memref<512x64xi32, #tpu.memory_space<hbm>>
      %dma_start3A_331 = arith.constant 0 : i32
      %dma_start3A_332 = tpu.memref_slice %arg5[%add3A_162, %dma_start3A_331] : memref<32768x64xi32, #tpu.memory_space<hbm>> -> memref<512x64xi32, #tpu.memory_space<hbm>>
      tpu.enqueue_dma source(%arg8 : memref<512x64xi32, #tpu.memory_space<vmem>>) target(%dma_start3A_332 : memref<512x64xi32, #tpu.memory_space<hbm>>) target_semaphore(%run_scoped3A : memref<!tpu.dma_semaphore, #tpu.memory_space<semaphore_mem>>)
      %dma_wait3A_333 = arith.constant 0 : i32
      %dma_wait3A_334 = tpu.memref_slice %arg5[%add3A_162, %dma_wait3A_333] : memref<32768x64xi32, #tpu.memory_space<hbm>> -> memref<512x64xi32, #tpu.memory_space<hbm>>
      %dma_wait3A_335 = arith.constant 0 : i32
      %dma_wait3A_336 = tpu.memref_slice %arg5[%add3A_162, %dma_wait3A_335] : memref<32768x64xi32, #tpu.memory_space<hbm>> -> memref<512x64xi32, #tpu.memory_space<hbm>>
      tpu.wait_dma2 semaphore(%run_scoped3A : memref<!tpu.dma_semaphore, #tpu.memory_space<semaphore_mem>>) src(%arg8 : memref<512x64xi32, #tpu.memory_space<vmem>>) dst(%dma_wait3A_336 : memref<512x64xi32, #tpu.memory_space<hbm>>)
      tpu.yield
    }) : () -> ()
    %add3A_163 = arith.constant 0 : i32
    %add3A_164 = arith.addi %mul3A_2, %add3A_163 : i32
    "tpu.region"() ({
      %run_scoped3A = tpu.sem_alloc : memref<!tpu.dma_semaphore, #tpu.memory_space<semaphore_mem>>
      %dma_start3A_329 = arith.constant 0 : i32
      %dma_start3A_330 = tpu.memref_slice %arg6[%add3A_164, %dma_start3A_329] : memref<32768x64xi32, #tpu.memory_space<hbm>> -> memref<512x64xi32, #tpu.memory_space<hbm>>
      %dma_start3A_331 = arith.constant 0 : i32
      %dma_start3A_332 = tpu.memref_slice %arg6[%add3A_164, %dma_start3A_331] : memref<32768x64xi32, #tpu.memory_space<hbm>> -> memref<512x64xi32, #tpu.memory_space<hbm>>
      tpu.enqueue_dma source(%arg9 : memref<512x64xi32, #tpu.memory_space<vmem>>) target(%dma_start3A_332 : memref<512x64xi32, #tpu.memory_space<hbm>>) target_semaphore(%run_scoped3A : memref<!tpu.dma_semaphore, #tpu.memory_space<semaphore_mem>>)
      %dma_wait3A_333 = arith.constant 0 : i32
      %dma_wait3A_334 = tpu.memref_slice %arg6[%add3A_164, %dma_wait3A_333] : memref<32768x64xi32, #tpu.memory_space<hbm>> -> memref<512x64xi32, #tpu.memory_space<hbm>>
      %dma_wait3A_335 = arith.constant 0 : i32
      %dma_wait3A_336 = tpu.memref_slice %arg6[%add3A_164, %dma_wait3A_335] : memref<32768x64xi32, #tpu.memory_space<hbm>> -> memref<512x64xi32, #tpu.memory_space<hbm>>
      tpu.wait_dma2 semaphore(%run_scoped3A : memref<!tpu.dma_semaphore, #tpu.memory_space<semaphore_mem>>) src(%arg9 : memref<512x64xi32, #tpu.memory_space<vmem>>) dst(%dma_wait3A_336 : memref<512x64xi32, #tpu.memory_space<hbm>>)
      tpu.yield
    }) : () -> ()
    %dma_start3A_165 = arith.constant 4 : i32
    %dma_start3A_166 = arith.constant 0 : i32
    %dma_start3A_167 = arith.constant 0 : i32
    %dma_start3A_168 = tpu.memref_slice %arg8[%dma_start3A_166, %dma_start3A_167] : memref<512x64xi32, #tpu.memory_space<vmem>> -> memref<128x64xi32, #tpu.memory_space<vmem>>
    %dma_start3A_169 = arith.constant 0 : i32
    %dma_start3A_170 = tpu.memref_slice %arg7[%dma_start3A_165, %dma_start3A_169] : memref<8x128xi32, #tpu.memory_space<vmem>> -> memref<1x128xi32, #tpu.memory_space<vmem>>
    %dma_start3A_171 = tpu.memref_squeeze %dma_start3A_170 : memref<1x128xi32, #tpu.memory_space<vmem>> -> memref<128xi32, #tpu.memory_space<vmem>>
    %dma_start3A_172 = arith.constant 0 : i32
    %dma_start3A_173 = arith.constant 0 : i32
    %dma_start3A_174 = tpu.memref_slice %arg3[%dma_start3A_172, %dma_start3A_173] : memref<8192x64xi32, #tpu.memory_space<hbm>> -> memref<8192x64xi32, #tpu.memory_space<hbm>>
    tpu.enqueue_indirect_dma source(%dma_start3A_174 : memref<8192x64xi32, #tpu.memory_space<hbm>>) target(%dma_start3A_168 : memref<128x64xi32, #tpu.memory_space<vmem>>) offsets(%dma_start3A_171 : memref<128xi32, #tpu.memory_space<vmem>>) semaphore(%arg10 : memref<!tpu.dma_semaphore, #tpu.memory_space<semaphore_mem>>)
    %dma_start3A_175 = arith.constant 4 : i32
    %dma_start3A_176 = arith.constant 0 : i32
    %dma_start3A_177 = arith.constant 0 : i32
    %dma_start3A_178 = tpu.memref_slice %arg9[%dma_start3A_176, %dma_start3A_177] : memref<512x64xi32, #tpu.memory_space<vmem>> -> memref<128x64xi32, #tpu.memory_space<vmem>>
    %dma_start3A_179 = arith.constant 0 : i32
    %dma_start3A_180 = tpu.memref_slice %arg7[%dma_start3A_175, %dma_start3A_179] : memref<8x128xi32, #tpu.memory_space<vmem>> -> memref<1x128xi32, #tpu.memory_space<vmem>>
    %dma_start3A_181 = tpu.memref_squeeze %dma_start3A_180 : memref<1x128xi32, #tpu.memory_space<vmem>> -> memref<128xi32, #tpu.memory_space<vmem>>
    %dma_start3A_182 = arith.constant 0 : i32
    %dma_start3A_183 = arith.constant 0 : i32
    %dma_start3A_184 = tpu.memref_slice %arg4[%dma_start3A_182, %dma_start3A_183] : memref<8192x64xi32, #tpu.memory_space<hbm>> -> memref<8192x64xi32, #tpu.memory_space<hbm>>
    tpu.enqueue_indirect_dma source(%dma_start3A_184 : memref<8192x64xi32, #tpu.memory_space<hbm>>) target(%dma_start3A_178 : memref<128x64xi32, #tpu.memory_space<vmem>>) offsets(%dma_start3A_181 : memref<128xi32, #tpu.memory_space<vmem>>) semaphore(%arg10 : memref<!tpu.dma_semaphore, #tpu.memory_space<semaphore_mem>>)
    %dma_start3A_185 = arith.constant 5 : i32
    %dma_start3A_186 = arith.constant 128 : i32
    %dma_start3A_187 = arith.constant 0 : i32
    %dma_start3A_188 = tpu.memref_slice %arg8[%dma_start3A_186, %dma_start3A_187] : memref<512x64xi32, #tpu.memory_space<vmem>> -> memref<128x64xi32, #tpu.memory_space<vmem>>
    %dma_start3A_189 = arith.constant 0 : i32
    %dma_start3A_190 = tpu.memref_slice %arg7[%dma_start3A_185, %dma_start3A_189] : memref<8x128xi32, #tpu.memory_space<vmem>> -> memref<1x128xi32, #tpu.memory_space<vmem>>
    %dma_start3A_191 = tpu.memref_squeeze %dma_start3A_190 : memref<1x128xi32, #tpu.memory_space<vmem>> -> memref<128xi32, #tpu.memory_space<vmem>>
    %dma_start3A_192 = arith.constant 0 : i32
    %dma_start3A_193 = arith.constant 0 : i32
    %dma_start3A_194 = tpu.memref_slice %arg3[%dma_start3A_192, %dma_start3A_193] : memref<8192x64xi32, #tpu.memory_space<hbm>> -> memref<8192x64xi32, #tpu.memory_space<hbm>>
    tpu.enqueue_indirect_dma source(%dma_start3A_194 : memref<8192x64xi32, #tpu.memory_space<hbm>>) target(%dma_start3A_188 : memref<128x64xi32, #tpu.memory_space<vmem>>) offsets(%dma_start3A_191 : memref<128xi32, #tpu.memory_space<vmem>>) semaphore(%arg10 : memref<!tpu.dma_semaphore, #tpu.memory_space<semaphore_mem>>)
    %dma_start3A_195 = arith.constant 5 : i32
    %dma_start3A_196 = arith.constant 128 : i32
    %dma_start3A_197 = arith.constant 0 : i32
    %dma_start3A_198 = tpu.memref_slice %arg9[%dma_start3A_196, %dma_start3A_197] : memref<512x64xi32, #tpu.memory_space<vmem>> -> memref<128x64xi32, #tpu.memory_space<vmem>>
    %dma_start3A_199 = arith.constant 0 : i32
    %dma_start3A_200 = tpu.memref_slice %arg7[%dma_start3A_195, %dma_start3A_199] : memref<8x128xi32, #tpu.memory_space<vmem>> -> memref<1x128xi32, #tpu.memory_space<vmem>>
    %dma_start3A_201 = tpu.memref_squeeze %dma_start3A_200 : memref<1x128xi32, #tpu.memory_space<vmem>> -> memref<128xi32, #tpu.memory_space<vmem>>
    %dma_start3A_202 = arith.constant 0 : i32
    %dma_start3A_203 = arith.constant 0 : i32
    %dma_start3A_204 = tpu.memref_slice %arg4[%dma_start3A_202, %dma_start3A_203] : memref<8192x64xi32, #tpu.memory_space<hbm>> -> memref<8192x64xi32, #tpu.memory_space<hbm>>
    tpu.enqueue_indirect_dma source(%dma_start3A_204 : memref<8192x64xi32, #tpu.memory_space<hbm>>) target(%dma_start3A_198 : memref<128x64xi32, #tpu.memory_space<vmem>>) offsets(%dma_start3A_201 : memref<128xi32, #tpu.memory_space<vmem>>) semaphore(%arg10 : memref<!tpu.dma_semaphore, #tpu.memory_space<semaphore_mem>>)
    %dma_start3A_205 = arith.constant 6 : i32
    %dma_start3A_206 = arith.constant 256 : i32
    %dma_start3A_207 = arith.constant 0 : i32
    %dma_start3A_208 = tpu.memref_slice %arg8[%dma_start3A_206, %dma_start3A_207] : memref<512x64xi32, #tpu.memory_space<vmem>> -> memref<128x64xi32, #tpu.memory_space<vmem>>
    %dma_start3A_209 = arith.constant 0 : i32
    %dma_start3A_210 = tpu.memref_slice %arg7[%dma_start3A_205, %dma_start3A_209] : memref<8x128xi32, #tpu.memory_space<vmem>> -> memref<1x128xi32, #tpu.memory_space<vmem>>
    %dma_start3A_211 = tpu.memref_squeeze %dma_start3A_210 : memref<1x128xi32, #tpu.memory_space<vmem>> -> memref<128xi32, #tpu.memory_space<vmem>>
    %dma_start3A_212 = arith.constant 0 : i32
    %dma_start3A_213 = arith.constant 0 : i32
    %dma_start3A_214 = tpu.memref_slice %arg3[%dma_start3A_212, %dma_start3A_213] : memref<8192x64xi32, #tpu.memory_space<hbm>> -> memref<8192x64xi32, #tpu.memory_space<hbm>>
    tpu.enqueue_indirect_dma source(%dma_start3A_214 : memref<8192x64xi32, #tpu.memory_space<hbm>>) target(%dma_start3A_208 : memref<128x64xi32, #tpu.memory_space<vmem>>) offsets(%dma_start3A_211 : memref<128xi32, #tpu.memory_space<vmem>>) semaphore(%arg10 : memref<!tpu.dma_semaphore, #tpu.memory_space<semaphore_mem>>)
    %dma_start3A_215 = arith.constant 6 : i32
    %dma_start3A_216 = arith.constant 256 : i32
    %dma_start3A_217 = arith.constant 0 : i32
    %dma_start3A_218 = tpu.memref_slice %arg9[%dma_start3A_216, %dma_start3A_217] : memref<512x64xi32, #tpu.memory_space<vmem>> -> memref<128x64xi32, #tpu.memory_space<vmem>>
    %dma_start3A_219 = arith.constant 0 : i32
    %dma_start3A_220 = tpu.memref_slice %arg7[%dma_start3A_215, %dma_start3A_219] : memref<8x128xi32, #tpu.memory_space<vmem>> -> memref<1x128xi32, #tpu.memory_space<vmem>>
    %dma_start3A_221 = tpu.memref_squeeze %dma_start3A_220 : memref<1x128xi32, #tpu.memory_space<vmem>> -> memref<128xi32, #tpu.memory_space<vmem>>
    %dma_start3A_222 = arith.constant 0 : i32
    %dma_start3A_223 = arith.constant 0 : i32
    %dma_start3A_224 = tpu.memref_slice %arg4[%dma_start3A_222, %dma_start3A_223] : memref<8192x64xi32, #tpu.memory_space<hbm>> -> memref<8192x64xi32, #tpu.memory_space<hbm>>
    tpu.enqueue_indirect_dma source(%dma_start3A_224 : memref<8192x64xi32, #tpu.memory_space<hbm>>) target(%dma_start3A_218 : memref<128x64xi32, #tpu.memory_space<vmem>>) offsets(%dma_start3A_221 : memref<128xi32, #tpu.memory_space<vmem>>) semaphore(%arg10 : memref<!tpu.dma_semaphore, #tpu.memory_space<semaphore_mem>>)
    %dma_start3A_225 = arith.constant 7 : i32
    %dma_start3A_226 = arith.constant 384 : i32
    %dma_start3A_227 = arith.constant 0 : i32
    %dma_start3A_228 = tpu.memref_slice %arg8[%dma_start3A_226, %dma_start3A_227] : memref<512x64xi32, #tpu.memory_space<vmem>> -> memref<128x64xi32, #tpu.memory_space<vmem>>
    %dma_start3A_229 = arith.constant 0 : i32
    %dma_start3A_230 = tpu.memref_slice %arg7[%dma_start3A_225, %dma_start3A_229] : memref<8x128xi32, #tpu.memory_space<vmem>> -> memref<1x128xi32, #tpu.memory_space<vmem>>
    %dma_start3A_231 = tpu.memref_squeeze %dma_start3A_230 : memref<1x128xi32, #tpu.memory_space<vmem>> -> memref<128xi32, #tpu.memory_space<vmem>>
    %dma_start3A_232 = arith.constant 0 : i32
    %dma_start3A_233 = arith.constant 0 : i32
    %dma_start3A_234 = tpu.memref_slice %arg3[%dma_start3A_232, %dma_start3A_233] : memref<8192x64xi32, #tpu.memory_space<hbm>> -> memref<8192x64xi32, #tpu.memory_space<hbm>>
    tpu.enqueue_indirect_dma source(%dma_start3A_234 : memref<8192x64xi32, #tpu.memory_space<hbm>>) target(%dma_start3A_228 : memref<128x64xi32, #tpu.memory_space<vmem>>) offsets(%dma_start3A_231 : memref<128xi32, #tpu.memory_space<vmem>>) semaphore(%arg10 : memref<!tpu.dma_semaphore, #tpu.memory_space<semaphore_mem>>)
    %dma_start3A_235 = arith.constant 7 : i32
    %dma_start3A_236 = arith.constant 384 : i32
    %dma_start3A_237 = arith.constant 0 : i32
    %dma_start3A_238 = tpu.memref_slice %arg9[%dma_start3A_236, %dma_start3A_237] : memref<512x64xi32, #tpu.memory_space<vmem>> -> memref<128x64xi32, #tpu.memory_space<vmem>>
    %dma_start3A_239 = arith.constant 0 : i32
    %dma_start3A_240 = tpu.memref_slice %arg7[%dma_start3A_235, %dma_start3A_239] : memref<8x128xi32, #tpu.memory_space<vmem>> -> memref<1x128xi32, #tpu.memory_space<vmem>>
    %dma_start3A_241 = tpu.memref_squeeze %dma_start3A_240 : memref<1x128xi32, #tpu.memory_space<vmem>> -> memref<128xi32, #tpu.memory_space<vmem>>
    %dma_start3A_242 = arith.constant 0 : i32
    %dma_start3A_243 = arith.constant 0 : i32
    %dma_start3A_244 = tpu.memref_slice %arg4[%dma_start3A_242, %dma_start3A_243] : memref<8192x64xi32, #tpu.memory_space<hbm>> -> memref<8192x64xi32, #tpu.memory_space<hbm>>
    tpu.enqueue_indirect_dma source(%dma_start3A_244 : memref<8192x64xi32, #tpu.memory_space<hbm>>) target(%dma_start3A_238 : memref<128x64xi32, #tpu.memory_space<vmem>>) offsets(%dma_start3A_241 : memref<128xi32, #tpu.memory_space<vmem>>) semaphore(%arg10 : memref<!tpu.dma_semaphore, #tpu.memory_space<semaphore_mem>>)
    %dma_wait3A_245 = arith.constant 4 : i32
    %dma_wait3A_246 = arith.constant 0 : i32
    %dma_wait3A_247 = arith.constant 0 : i32
    %dma_wait3A_248 = tpu.memref_slice %arg8[%dma_wait3A_246, %dma_wait3A_247] : memref<512x64xi32, #tpu.memory_space<vmem>> -> memref<128x64xi32, #tpu.memory_space<vmem>>
    %dma_wait3A_249 = arith.constant 0 : i32
    %dma_wait3A_250 = tpu.memref_slice %arg7[%dma_wait3A_245, %dma_wait3A_249] : memref<8x128xi32, #tpu.memory_space<vmem>> -> memref<1x128xi32, #tpu.memory_space<vmem>>
    %dma_wait3A_251 = tpu.memref_squeeze %dma_wait3A_250 : memref<1x128xi32, #tpu.memory_space<vmem>> -> memref<128xi32, #tpu.memory_space<vmem>>
    %dma_wait3A_252 = arith.constant 0 : i32
    %dma_wait3A_253 = arith.constant 0 : i32
    %dma_wait3A_254 = tpu.memref_slice %arg3[%dma_wait3A_252, %dma_wait3A_253] : memref<8192x64xi32, #tpu.memory_space<hbm>> -> memref<8192x64xi32, #tpu.memory_space<hbm>>
    tpu.wait_indirect_dma semaphore(%arg10 : memref<!tpu.dma_semaphore, #tpu.memory_space<semaphore_mem>>) src(%dma_wait3A_254 : memref<8192x64xi32, #tpu.memory_space<hbm>>) dst(%dma_wait3A_248 : memref<128x64xi32, #tpu.memory_space<vmem>>)
    %dma_wait3A_255 = arith.constant 4 : i32
    %dma_wait3A_256 = arith.constant 0 : i32
    %dma_wait3A_257 = arith.constant 0 : i32
    %dma_wait3A_258 = tpu.memref_slice %arg9[%dma_wait3A_256, %dma_wait3A_257] : memref<512x64xi32, #tpu.memory_space<vmem>> -> memref<128x64xi32, #tpu.memory_space<vmem>>
    %dma_wait3A_259 = arith.constant 0 : i32
    %dma_wait3A_260 = tpu.memref_slice %arg7[%dma_wait3A_255, %dma_wait3A_259] : memref<8x128xi32, #tpu.memory_space<vmem>> -> memref<1x128xi32, #tpu.memory_space<vmem>>
    %dma_wait3A_261 = tpu.memref_squeeze %dma_wait3A_260 : memref<1x128xi32, #tpu.memory_space<vmem>> -> memref<128xi32, #tpu.memory_space<vmem>>
    %dma_wait3A_262 = arith.constant 0 : i32
    %dma_wait3A_263 = arith.constant 0 : i32
    %dma_wait3A_264 = tpu.memref_slice %arg4[%dma_wait3A_262, %dma_wait3A_263] : memref<8192x64xi32, #tpu.memory_space<hbm>> -> memref<8192x64xi32, #tpu.memory_space<hbm>>
    tpu.wait_indirect_dma semaphore(%arg10 : memref<!tpu.dma_semaphore, #tpu.memory_space<semaphore_mem>>) src(%dma_wait3A_264 : memref<8192x64xi32, #tpu.memory_space<hbm>>) dst(%dma_wait3A_258 : memref<128x64xi32, #tpu.memory_space<vmem>>)
    %dma_wait3A_265 = arith.constant 5 : i32
    %dma_wait3A_266 = arith.constant 128 : i32
    %dma_wait3A_267 = arith.constant 0 : i32
    %dma_wait3A_268 = tpu.memref_slice %arg8[%dma_wait3A_266, %dma_wait3A_267] : memref<512x64xi32, #tpu.memory_space<vmem>> -> memref<128x64xi32, #tpu.memory_space<vmem>>
    %dma_wait3A_269 = arith.constant 0 : i32
    %dma_wait3A_270 = tpu.memref_slice %arg7[%dma_wait3A_265, %dma_wait3A_269] : memref<8x128xi32, #tpu.memory_space<vmem>> -> memref<1x128xi32, #tpu.memory_space<vmem>>
    %dma_wait3A_271 = tpu.memref_squeeze %dma_wait3A_270 : memref<1x128xi32, #tpu.memory_space<vmem>> -> memref<128xi32, #tpu.memory_space<vmem>>
    %dma_wait3A_272 = arith.constant 0 : i32
    %dma_wait3A_273 = arith.constant 0 : i32
    %dma_wait3A_274 = tpu.memref_slice %arg3[%dma_wait3A_272, %dma_wait3A_273] : memref<8192x64xi32, #tpu.memory_space<hbm>> -> memref<8192x64xi32, #tpu.memory_space<hbm>>
    tpu.wait_indirect_dma semaphore(%arg10 : memref<!tpu.dma_semaphore, #tpu.memory_space<semaphore_mem>>) src(%dma_wait3A_274 : memref<8192x64xi32, #tpu.memory_space<hbm>>) dst(%dma_wait3A_268 : memref<128x64xi32, #tpu.memory_space<vmem>>)
    %dma_wait3A_275 = arith.constant 5 : i32
    %dma_wait3A_276 = arith.constant 128 : i32
    %dma_wait3A_277 = arith.constant 0 : i32
    %dma_wait3A_278 = tpu.memref_slice %arg9[%dma_wait3A_276, %dma_wait3A_277] : memref<512x64xi32, #tpu.memory_space<vmem>> -> memref<128x64xi32, #tpu.memory_space<vmem>>
    %dma_wait3A_279 = arith.constant 0 : i32
    %dma_wait3A_280 = tpu.memref_slice %arg7[%dma_wait3A_275, %dma_wait3A_279] : memref<8x128xi32, #tpu.memory_space<vmem>> -> memref<1x128xi32, #tpu.memory_space<vmem>>
    %dma_wait3A_281 = tpu.memref_squeeze %dma_wait3A_280 : memref<1x128xi32, #tpu.memory_space<vmem>> -> memref<128xi32, #tpu.memory_space<vmem>>
    %dma_wait3A_282 = arith.constant 0 : i32
    %dma_wait3A_283 = arith.constant 0 : i32
    %dma_wait3A_284 = tpu.memref_slice %arg4[%dma_wait3A_282, %dma_wait3A_283] : memref<8192x64xi32, #tpu.memory_space<hbm>> -> memref<8192x64xi32, #tpu.memory_space<hbm>>
    tpu.wait_indirect_dma semaphore(%arg10 : memref<!tpu.dma_semaphore, #tpu.memory_space<semaphore_mem>>) src(%dma_wait3A_284 : memref<8192x64xi32, #tpu.memory_space<hbm>>) dst(%dma_wait3A_278 : memref<128x64xi32, #tpu.memory_space<vmem>>)
    %dma_wait3A_285 = arith.constant 6 : i32
    %dma_wait3A_286 = arith.constant 256 : i32
    %dma_wait3A_287 = arith.constant 0 : i32
    %dma_wait3A_288 = tpu.memref_slice %arg8[%dma_wait3A_286, %dma_wait3A_287] : memref<512x64xi32, #tpu.memory_space<vmem>> -> memref<128x64xi32, #tpu.memory_space<vmem>>
    %dma_wait3A_289 = arith.constant 0 : i32
    %dma_wait3A_290 = tpu.memref_slice %arg7[%dma_wait3A_285, %dma_wait3A_289] : memref<8x128xi32, #tpu.memory_space<vmem>> -> memref<1x128xi32, #tpu.memory_space<vmem>>
    %dma_wait3A_291 = tpu.memref_squeeze %dma_wait3A_290 : memref<1x128xi32, #tpu.memory_space<vmem>> -> memref<128xi32, #tpu.memory_space<vmem>>
    %dma_wait3A_292 = arith.constant 0 : i32
    %dma_wait3A_293 = arith.constant 0 : i32
    %dma_wait3A_294 = tpu.memref_slice %arg3[%dma_wait3A_292, %dma_wait3A_293] : memref<8192x64xi32, #tpu.memory_space<hbm>> -> memref<8192x64xi32, #tpu.memory_space<hbm>>
    tpu.wait_indirect_dma semaphore(%arg10 : memref<!tpu.dma_semaphore, #tpu.memory_space<semaphore_mem>>) src(%dma_wait3A_294 : memref<8192x64xi32, #tpu.memory_space<hbm>>) dst(%dma_wait3A_288 : memref<128x64xi32, #tpu.memory_space<vmem>>)
    %dma_wait3A_295 = arith.constant 6 : i32
    %dma_wait3A_296 = arith.constant 256 : i32
    %dma_wait3A_297 = arith.constant 0 : i32
    %dma_wait3A_298 = tpu.memref_slice %arg9[%dma_wait3A_296, %dma_wait3A_297] : memref<512x64xi32, #tpu.memory_space<vmem>> -> memref<128x64xi32, #tpu.memory_space<vmem>>
    %dma_wait3A_299 = arith.constant 0 : i32
    %dma_wait3A_300 = tpu.memref_slice %arg7[%dma_wait3A_295, %dma_wait3A_299] : memref<8x128xi32, #tpu.memory_space<vmem>> -> memref<1x128xi32, #tpu.memory_space<vmem>>
    %dma_wait3A_301 = tpu.memref_squeeze %dma_wait3A_300 : memref<1x128xi32, #tpu.memory_space<vmem>> -> memref<128xi32, #tpu.memory_space<vmem>>
    %dma_wait3A_302 = arith.constant 0 : i32
    %dma_wait3A_303 = arith.constant 0 : i32
    %dma_wait3A_304 = tpu.memref_slice %arg4[%dma_wait3A_302, %dma_wait3A_303] : memref<8192x64xi32, #tpu.memory_space<hbm>> -> memref<8192x64xi32, #tpu.memory_space<hbm>>
    tpu.wait_indirect_dma semaphore(%arg10 : memref<!tpu.dma_semaphore, #tpu.memory_space<semaphore_mem>>) src(%dma_wait3A_304 : memref<8192x64xi32, #tpu.memory_space<hbm>>) dst(%dma_wait3A_298 : memref<128x64xi32, #tpu.memory_space<vmem>>)
    %dma_wait3A_305 = arith.constant 7 : i32
    %dma_wait3A_306 = arith.constant 384 : i32
    %dma_wait3A_307 = arith.constant 0 : i32
    %dma_wait3A_308 = tpu.memref_slice %arg8[%dma_wait3A_306, %dma_wait3A_307] : memref<512x64xi32, #tpu.memory_space<vmem>> -> memref<128x64xi32, #tpu.memory_space<vmem>>
    %dma_wait3A_309 = arith.constant 0 : i32
    %dma_wait3A_310 = tpu.memref_slice %arg7[%dma_wait3A_305, %dma_wait3A_309] : memref<8x128xi32, #tpu.memory_space<vmem>> -> memref<1x128xi32, #tpu.memory_space<vmem>>
    %dma_wait3A_311 = tpu.memref_squeeze %dma_wait3A_310 : memref<1x128xi32, #tpu.memory_space<vmem>> -> memref<128xi32, #tpu.memory_space<vmem>>
    %dma_wait3A_312 = arith.constant 0 : i32
    %dma_wait3A_313 = arith.constant 0 : i32
    %dma_wait3A_314 = tpu.memref_slice %arg3[%dma_wait3A_312, %dma_wait3A_313] : memref<8192x64xi32, #tpu.memory_space<hbm>> -> memref<8192x64xi32, #tpu.memory_space<hbm>>
    tpu.wait_indirect_dma semaphore(%arg10 : memref<!tpu.dma_semaphore, #tpu.memory_space<semaphore_mem>>) src(%dma_wait3A_314 : memref<8192x64xi32, #tpu.memory_space<hbm>>) dst(%dma_wait3A_308 : memref<128x64xi32, #tpu.memory_space<vmem>>)
    %dma_wait3A_315 = arith.constant 7 : i32
    %dma_wait3A_316 = arith.constant 384 : i32
    %dma_wait3A_317 = arith.constant 0 : i32
    %dma_wait3A_318 = tpu.memref_slice %arg9[%dma_wait3A_316, %dma_wait3A_317] : memref<512x64xi32, #tpu.memory_space<vmem>> -> memref<128x64xi32, #tpu.memory_space<vmem>>
    %dma_wait3A_319 = arith.constant 0 : i32
    %dma_wait3A_320 = tpu.memref_slice %arg7[%dma_wait3A_315, %dma_wait3A_319] : memref<8x128xi32, #tpu.memory_space<vmem>> -> memref<1x128xi32, #tpu.memory_space<vmem>>
    %dma_wait3A_321 = tpu.memref_squeeze %dma_wait3A_320 : memref<1x128xi32, #tpu.memory_space<vmem>> -> memref<128xi32, #tpu.memory_space<vmem>>
    %dma_wait3A_322 = arith.constant 0 : i32
    %dma_wait3A_323 = arith.constant 0 : i32
    %dma_wait3A_324 = tpu.memref_slice %arg4[%dma_wait3A_322, %dma_wait3A_323] : memref<8192x64xi32, #tpu.memory_space<hbm>> -> memref<8192x64xi32, #tpu.memory_space<hbm>>
    tpu.wait_indirect_dma semaphore(%arg10 : memref<!tpu.dma_semaphore, #tpu.memory_space<semaphore_mem>>) src(%dma_wait3A_324 : memref<8192x64xi32, #tpu.memory_space<hbm>>) dst(%dma_wait3A_318 : memref<128x64xi32, #tpu.memory_space<vmem>>)
    %add3A_325 = arith.constant 512 : i32
    %add3A_326 = arith.addi %mul3A_2, %add3A_325 : i32
    "tpu.region"() ({
      %run_scoped3A = tpu.sem_alloc : memref<!tpu.dma_semaphore, #tpu.memory_space<semaphore_mem>>
      %dma_start3A_329 = arith.constant 0 : i32
      %dma_start3A_330 = tpu.memref_slice %arg5[%add3A_326, %dma_start3A_329] : memref<32768x64xi32, #tpu.memory_space<hbm>> -> memref<512x64xi32, #tpu.memory_space<hbm>>
      %dma_start3A_331 = arith.constant 0 : i32
      %dma_start3A_332 = tpu.memref_slice %arg5[%add3A_326, %dma_start3A_331] : memref<32768x64xi32, #tpu.memory_space<hbm>> -> memref<512x64xi32, #tpu.memory_space<hbm>>
      tpu.enqueue_dma source(%arg8 : memref<512x64xi32, #tpu.memory_space<vmem>>) target(%dma_start3A_332 : memref<512x64xi32, #tpu.memory_space<hbm>>) target_semaphore(%run_scoped3A : memref<!tpu.dma_semaphore, #tpu.memory_space<semaphore_mem>>)
      %dma_wait3A_333 = arith.constant 0 : i32
      %dma_wait3A_334 = tpu.memref_slice %arg5[%add3A_326, %dma_wait3A_333] : memref<32768x64xi32, #tpu.memory_space<hbm>> -> memref<512x64xi32, #tpu.memory_space<hbm>>
      %dma_wait3A_335 = arith.constant 0 : i32
      %dma_wait3A_336 = tpu.memref_slice %arg5[%add3A_326, %dma_wait3A_335] : memref<32768x64xi32, #tpu.memory_space<hbm>> -> memref<512x64xi32, #tpu.memory_space<hbm>>
      tpu.wait_dma2 semaphore(%run_scoped3A : memref<!tpu.dma_semaphore, #tpu.memory_space<semaphore_mem>>) src(%arg8 : memref<512x64xi32, #tpu.memory_space<vmem>>) dst(%dma_wait3A_336 : memref<512x64xi32, #tpu.memory_space<hbm>>)
      tpu.yield
    }) : () -> ()
    %add3A_327 = arith.constant 512 : i32
    %add3A_328 = arith.addi %mul3A_2, %add3A_327 : i32
    "tpu.region"() ({
      %run_scoped3A = tpu.sem_alloc : memref<!tpu.dma_semaphore, #tpu.memory_space<semaphore_mem>>
      %dma_start3A_329 = arith.constant 0 : i32
      %dma_start3A_330 = tpu.memref_slice %arg6[%add3A_328, %dma_start3A_329] : memref<32768x64xi32, #tpu.memory_space<hbm>> -> memref<512x64xi32, #tpu.memory_space<hbm>>
      %dma_start3A_331 = arith.constant 0 : i32
      %dma_start3A_332 = tpu.memref_slice %arg6[%add3A_328, %dma_start3A_331] : memref<32768x64xi32, #tpu.memory_space<hbm>> -> memref<512x64xi32, #tpu.memory_space<hbm>>
      tpu.enqueue_dma source(%arg9 : memref<512x64xi32, #tpu.memory_space<vmem>>) target(%dma_start3A_332 : memref<512x64xi32, #tpu.memory_space<hbm>>) target_semaphore(%run_scoped3A : memref<!tpu.dma_semaphore, #tpu.memory_space<semaphore_mem>>)
      %dma_wait3A_333 = arith.constant 0 : i32
      %dma_wait3A_334 = tpu.memref_slice %arg6[%add3A_328, %dma_wait3A_333] : memref<32768x64xi32, #tpu.memory_space<hbm>> -> memref<512x64xi32, #tpu.memory_space<hbm>>
      %dma_wait3A_335 = arith.constant 0 : i32
      %dma_wait3A_336 = tpu.memref_slice %arg6[%add3A_328, %dma_wait3A_335] : memref<32768x64xi32, #tpu.memory_space<hbm>> -> memref<512x64xi32, #tpu.memory_space<hbm>>
      tpu.wait_dma2 semaphore(%run_scoped3A : memref<!tpu.dma_semaphore, #tpu.memory_space<semaphore_mem>>) src(%arg9 : memref<512x64xi32, #tpu.memory_space<vmem>>) dst(%dma_wait3A_336 : memref<512x64xi32, #tpu.memory_space<hbm>>)
      tpu.yield
    }) : () -> ()
    return
  }
}

</mosaic_0001>

<sc_bundles>
// kernel: _gather_rows.3.cloned.1.call-start
scs
__scs_entry_jumppad:
0x0: {  	(pc) =	sbr.rel $0x88, $3  }
0x1: {  	(tag) =	ssettag $0x0;
	lr =	simm.s32 $0x1  }
0x2: {  	[smem:$0x3F9E] =	sst lr;
	_ =	strace $0xD0000000  }
0x3: {  	_ = 	snop  }
0x4: {  	_ = 	snop  }
0x5: {  	_ = 	snop  }
0x6: {  	_ = 	snop  }
0x7: {  	_ = 	snop  }
__scs_overlays_trampoline_lowered:
0x8: {  	[smem:$0x3FAD] =	sst s0  }
0x9: {  	[smem:$0x3FAE] =	sst s1  }
0xa: {  	[smem:$0x3FAF] =	sst s2  }
0xb: {  	[smem:$0x3FB0] =	sst s3  }
0xc: {  	[smem:$0x3FB1] =	sst s4  }
0xd: {  	[smem:$0x3FB2] =	sst s5  }
0xe: {  	[smem:$0x3FB3] =	sst s6  }
0xf: {  	[smem:$0x3FB4] =	sst s7  }
0x10: {  	[smem:$0x3FB5] =	sst s8  }
0x11: {  	[smem:$0x3FB6] =	sst s9;
	s0 =	simm.s32 @!p0 $0x0  }
0x12: {  	s1 =	sld [smem:$0x3F9C];
	s0 =	simm.s32 @p0 $0x1  }
0x13: {  	[smem:$0x3FB7] =	sst s0;
	s0 =	simm.s32 @!p1 $0x0  }
0x14: {  	s2 =	sld [smem:$0x3F9B];
	s0 =	simm.s32 @p1 $0x1  }
0x15: {  	[smem:$0x3FB8] =	sst s0;
	s0 =	simm.s32 @!p2 $0x0  }
0x16: {  	s3 =	sld [smem:$0x3FDB];
	s0 =	simm.s32 @p2 $0x1  }
0x17: {  	s4 =	simm.s32 $0x1BF5;
	[smem:$0x3FBA] =	sst s0  }
0x18: {  	s0 =	sld [smem:$0x3F9D];
	_ =	swait.ge [sflag:s4], $0x0  }
0x19: {  	s7 =	sld [smem:$0x3F9E]  }
0x1a: {  	s8 =	sadd.s32 $0xFFFFE003, lr  }
0x1b: {  	s9 =	sadd.s32 $0xFFFFFEF7, lr;
	s5 =	simm.s32 $0xFFFFFFFF;
	p2 =	slt.u32 s8, $0xFFFFF086  }
0x1c: {  	p1 =	slt.u32 s9, $0xF7A;
	s5 =	simm.s32 @!p2 $0x0  }
0x1d: {  	s5 =	simm.s32 @p1 $0x1;
	p0 =	seq.s32 s7, s2  }
0x1e: {  	s7 =	smul.u32 @!p0 $0xF7A, s2;
	p2 =	seq.s32 @!p0 s5, $0x0  }
0x1f: {  	s9 =	smul.u32 $0xF7A, s1;
	s8 =	simm.s32 @!p0 $0x1BF5;
	p2 =	por !p2, p0  }
0x20: {  	[sflag:s8] =	ssyncset.s32 @!p0 $0xFFFFF086;
	s6 =	sadd.s32 @!p0 s3, s7;
	s7 =	simm.s32 @!p0 $0x108  }
0x21: {  	s3 =	sadd.s32 s3, s9;
	s6 =	sadd.s32 @!p0 $0x88, s6;
	s7 =	simm.s32 @p2 $0x1082  }
0x22: {  	[simem:s7], [sflag:s8] =	dma.local @!p0 [hbm:s6], $0xF7A  }
0x23: {  	s9 =	sor.u32 $0xD0000000, s2;
	s6 =	simm.s32 $0x108;
	_ =	swait.ge @!p0 [sflag:s8], $0x0  }
0x24: {  	s3 =	sadd.s32 $0x88, s3;
	s6 =	simm.s32 @!p1 $0x1082;
	[sflag:s4] =	ssyncset.s32 $0xFFFFF086  }
0x25: {  	[simem:s6], [sflag:s4] =	dma.local [hbm:s3], $0xF7A  }
0x26: {  	[smem:$0x3F9E] =	sst s1;
	(tag) =	ssettag s2;
	_ =	strace s9  }
0x27: {  	s1 =	sld [smem:$0x3FAE]  }
0x28: {  	s2 =	sld [smem:$0x3FAF]  }
0x29: {  	s4 =	sld [smem:$0x3FB1]  }
0x2a: {  	p0 =	seq.s32 s5, $0x0;
	s5 =	sld [smem:$0x3FB2]  }
0x2b: {  	s6 =	sld [smem:$0x3FB3]  }
0x2c: {  	s7 =	sld [smem:$0x3FB4]  }
0x2d: {  	s3 =	simm.s32 $0x108;
	s8 =	sld [smem:$0x3FB5]  }
0x2e: {  	s3 =	simm.s32 @!p0 $0x1082;
	s9 =	sld [smem:$0x3FB6]  }
0x2f: {  	lr =	sadd.s32 s0, s3;
	s0 =	sld [smem:$0x3FAD]  }
0x30: {  	s3 =	sld [smem:$0x3FB0]  }
0x31: {  	[smem:$0x3FB9] =	sst s10  }
0x32: {  	s10 =	sld [smem:$0x3FB7];
	_ =	sdelay $0x3  }
0x33: {  	p0 =	seq.s32 s10, $0x1;
	s10 =	sld [smem:$0x3FB9];
	_ =	sdelay $0x3  }
0x34: {  	[smem:$0x3FB9] =	sst s10  }
0x35: {  	s10 =	sld [smem:$0x3FB8];
	_ =	sdelay $0x3  }
0x36: {  	p1 =	seq.s32 s10, $0x1;
	s10 =	sld [smem:$0x3FB9];
	_ =	sdelay $0x3  }
0x37: {  	[smem:$0x3FB9] =	sst s10  }
0x38: {  	s10 =	sld [smem:$0x3FBA]  }
0x39: {  	_ = 	snop;
	(pc) =	sbr.ind lr, $3  }
0x3a: {  	_ = 	snop  }
0x3b: {  	_ = 	snop  }
0x3c: {  	p2 =	seq.s32 s10, $0x1;
	s10 =	sld [smem:$0x3FB9]  }
0x3d: {  	_ =	shalt  }
0x3e: {  	_ =	shalt  }
0x3f: {  	_ =	shalt  }
0x40: {  	_ =	shalt  }
0x41: {  	_ =	shalt  }
0x42: {  	_ =	shalt  }
0x43: {  	_ =	shalt  }
0x44: {  	_ =	shalt  }
0x45: {  	_ =	shalt  }
0x46: {  	_ =	shalt  }
0x47: {  	_ =	shalt  }
0x48: {  	_ =	shalt  }
0x49: {  	_ =	shalt  }
0x4a: {  	_ =	shalt  }
0x4b: {  	_ =	shalt  }
0x4c: {  	_ =	shalt  }
0x4d: {  	_ =	shalt  }
0x4e: {  	_ =	shalt  }
0x4f: {  	_ =	shalt  }
0x50: {  	_ =	shalt  }
0x51: {  	_ =	shalt  }
0x52: {  	_ =	shalt  }
0x53: {  	_ =	shalt  }
0x54: {  	_ =	shalt  }
0x55: {  	_ =	shalt  }
0x56: {  	_ =	shalt  }
0x57: {  	_ =	shalt  }
0x58: {  	_ =	shalt  }
0x59: {  	_ =	shalt  }
0x5a: {  	_ =	shalt  }
0x5b: {  	_ =	shalt  }
0x5c: {  	_ =	shalt  }
0x5d: {  	_ =	shalt  }
0x5e: {  	_ =	shalt  }
0x5f: {  	_ =	shalt  }
0x60: {  	_ =	shalt  }
0x61: {  	_ =	shalt  }
0x62: {  	_ =	shalt  }
0x63: {  	_ =	shalt  }
0x64: {  	_ =	shalt  }
0x65: {  	_ =	shalt  }
0x66: {  	_ =	shalt  }
0x67: {  	_ =	shalt  }
0x68: {  	_ =	shalt  }
0x69: {  	_ =	shalt  }
0x6a: {  	_ =	shalt  }
0x6b: {  	_ =	shalt  }
0x6c: {  	_ =	shalt  }
0x6d: {  	_ =	shalt  }
0x6e: {  	_ =	shalt  }
0x6f: {  	_ =	shalt  }
0x70: {  	_ =	shalt  }
0x71: {  	_ =	shalt  }
0x72: {  	_ =	shalt  }
0x73: {  	_ =	shalt  }
0x74: {  	_ =	shalt  }
0x75: {  	_ =	shalt  }
0x76: {  	_ =	shalt  }
0x77: {  	_ =	shalt  }
0x78: {  	_ =	shalt  }
0x79: {  	_ =	shalt  }
0x7a: {  	_ =	shalt  }
0x7b: {  	_ =	shalt  }
0x7c: {  	_ =	shalt  }
0x7d: {  	_ =	shalt  }
0x7e: {  	_ =	shalt  }
0x7f: {  	_ =	shalt  }
0x80: {  	_ =	shalt  }
0x81: {  	_ =	shalt  }
0x82: {  	_ =	shalt  }
0x83: {  	_ =	shalt  }
0x84: {  	_ =	shalt  }
0x85: {  	_ =	shalt  }
0x86: {  	_ =	shalt  }
0x87: {  	_ =	shalt  }
.Lfunc_end0:
.L_simem_size_0:
called_computation_lowered:
.L_overlay_start_0:
0x88: {  	s2 =	sld [smem:$0x3FD9]  }
0x89: {  	s3 =	sld [smem:$0x3FFE];
	_ =	sdelay $0x1  }
0x8a: {  	s1 =	srdreg.scid  }
0x8b: {  	s0 =	sand.u32 $0x1, s1  }
0x8c: {  	s14 =	sshll.u32 s0, $0xA;
	s2 =	sadd.s32 s3, s2  }
0x8d: {  	s2 =	sadd.s32 s2, s14  }
0x8e: {  	[smem:$0x3FC5] =	sst s2  }
0x8f: {  	_ = 	snop  }
0x90: {  	s2 =	sld [smem:$0x3FD0];
	_ =	sdelay $0x2  }
0x91: {  	s4 =	simm.s32 $0xA;
	s5 =	simm.s32 $0x10;
	s15 =	sld [smem:$0x3FC9]  }
0x92: {  	[smem:s5], [sflag:s4] =	dma.local [hbm:s2], $0x1  }
0x93: {  	_ =	swait.eq [sflag:s4], $0x1  }
0x94: {  	[sflag:s4] =	ssyncset.done $0x0  }
0x95: {  	s16 =	sld [smem:$0x10];
	[sflag:s4] =	ssyncadd.s32 $0xFFFFFFFF  }
0x96: {  	s17 =	sld [smem:$0x11];
	(tm) =	ssettm $0x1  }
0x97: {  	s18 =	sld [smem:$0x3FFB];
	_ =	sdelay $0x3  }
0x98: {  	_ =	strace s18  }
0x99: {  	s5 =	sld [smem:$0x3FFC];
	_ =	sdelay $0x3  }
0x9a: {  	_ =	strace s5  }
0x9b: {  	s5 =	sld [smem:$0x3FFD];
	_ =	sdelay $0x3  }
0x9c: {  	_ =	strace s5  }
0x9d: {  	_ =	strace $0x8FFFFFFF  }
0x9e: {  	s19 =	sld [smem:$0x3FDB];
	_ =	sdelay $0x1  }
0x9f: {  	s6 =	simm.s32 $_scs_section_size  }
0xa0: {  	s7 =	simm.s32 $_size__tile_overlayer_lowered;
	s8 =	simm.s32 $_tile_overlayer_lowered  }
0xa1: {  	s22 =	simm.s32 $0x1BFF;
	s21 =	sshll.u32 s8, $0x1;
	s5 =	sadd.s32 s6, s19  }
0xa2: {  	s9 =	simm.s32 $0x0;
	s20 =	sshll.u32 s7, $0x1;
	s7 =	sadd.s32 s21, s5  }
0xa3: {  	[timem:s9], [sflag:s22] =	dma.local [hbm:s7], s20  }
0xa4: {  	_ =	swait.ge [sflag:s22], s20  }
0xa5: {  	s6 =	ssub.s32 $0x0, s20;
	[sflag:s22] =	ssyncset.done $0x0  }
0xa6: {  	[sflag:s22] =	ssyncadd.s32 s6;
	_ =	sdelay $0x1  }
0xa7: {  	s23 =	simm.s32 $0x1B8B  }
0xa8: {  	_ =	swait.ge [sflag:s23], $0x1  }
0xa9: {  	[sflag:s23] =	ssyncset.done $0x0  }
0xaa: {  	s25 =	simm.s32 $0x1B8E;
	s24 =	sld [smem:$0x3FFE];
	[sflag:s23] =	ssyncadd.s32 $0xFFFFFFFF  }
0xab: {  	s26 =	simm.s32 $execute0_lowered;
	[smem:$0x3FD2] =	sst s25  }
0xac: {  	s7 =	sshll.u32 s26, $0x1;
	_ =	strace $0x80000046;
	[dreg:$0x1] =	wrdreg $0xFFFFFFFF  }
0xad: {  	s28 =	simm.s32 $_size_execute0_lowered;
	s5 =	sadd.s32 s5, s7;
	[dreg:$0x0] =	wrdreg $0x0  }
0xae: {  	s7 =	sshll.u32 s28, $0x1;
	[dreg:$0x2] =	wrdreg s5  }
0xaf: {  	[dreg:$0x3] =	wrdreg s7  }
0xb0: {  	[dreg:$0x4] =	wrdreg $0xC0  }
0xb1: {  	_ =	task [dreg:s9], $0x5FFFF  }
0xb2: {  	[dreg:$0x1] =	wrdreg $0xFFFFFFFF  }
0xb3: {  	[dreg:$0x0] =	wrdreg $0x60  }
0xb4: {  	[dreg:$0x2] =	wrdreg s15  }
0xb5: {  	[dreg:$0x3] =	wrdreg s24  }
0xb6: {  	[dreg:$0x4] =	wrdreg s16  }
0xb7: {  	[dreg:$0x5] =	wrdreg s17  }
0xb8: {  	[dreg:$0x6] =	wrdreg $0x9  }
0xb9: {  	_ =	task.clear_ibuf [dreg:s9], $0x7FFFF;
	_ =	strace $0x90000046  }
0xba: {  	s29 =	simm.s32 $0x9;
	_ =	strace $0x80000048  }
0xbb: {  	_ =	swait.ge [sflag:s29], $0x1  }
0xbc: {  	[sflag:s29] =	ssyncadd.s32 $0xFFFFFFFF  }
0xbd: {  	_ =	strace $0x90000048  }
0xbe: {  	_ =	sfence  }
0xbf: {  	s30 =	sld [smem:$0x0];
	_ =	sdelay $0x2  }
0xc0: {  	s31 =	sshll.u32 s1, $0xD;
	s1 =	sshrl.u32 s1, $0x2  }
0xc1: {  	s3 =	sand.u32 $0x4000, s31;
	s1 =	sadd.s32 s1, s30  }
0xc2: {  	s0 =	sor.u32 s3, s0;
	s1 =	sshll.u32 s1, $0x11  }
0xc3: {  	s0 =	sor.u32 s1, s0  }
0xc4: {  	s0 =	sadd.s32 $0x8F2B, s0  }
0xc5: {  	[sflag:s0] =	ssyncadd.remote.s32 $0x1  }
0xc6: {  	_ =	sfence.sel $0xFFFF  }
0xc7: {  	[dreg:$0x0] =	wrdreg $0xFFFFFFFF;
	(pc) =	sbr.abs _section_cstart, $3  }
0xc8: {  	[dreg:$0x1] =	wrdreg $0xFFFFFFFF  }
0xc9: {  	_ =	task.clear_ibuf [dreg:s9], $0x2FFFF;
	_ =	strace $0x9FFFFFFF  }
0xca: {  	(tm) =	ssettm $0x7FFFFFFF  }
0xcb: {  	_ =	shalt  }
tec
execute0_lowered:
.L_overlay_start_1:
0x0: {  	(tag) =	ssettag $0x1  }
0x1: {  	s3 =	rddreg [dreg:$0x0]  }
0x2: {  	s8 =	rddreg [dreg:$0x1];
	s1 =	srdreg.scid  }
0x3: {  	s25 =	rddreg [dreg:$0x2];
	s0 =	stileid.u32;
	s28 =	sand.u32 $0x1, s1  }
0x4: {  	s26 =	rddreg [dreg:$0x3];
	s4 =	sshll.u32 s0, $0xB;
	s5 =	sshll.u32 s28, $0xA  }
0x5: {  	s2 =	simm.s32 $0x0;
	s1 =	rddreg [dreg:$0x4];
	s19 =	sor.u32 s5, s4  }
0x6: {  	[smem:$0x7FF] =	sst s2;
	s4 =	sshrl.u32 s19, $0x3  }
0x7: {  	_ =	strace $0x80000047;
	s4 =	sadd.s32 s3, s4;
	s3 =	simm.s32 $0x2  }
0x8: {  	[tilespmem:s2], [sflag:$0x2] =	stream.linear.gather [hbm4b:s4+s2], $0x400, $0x38;
	[tilespmem:$0x10400] =	vst v63  }
0x9: {  	_ =	swait.ge [sflag:s3], $0x400  }
0xa: {  	s6 =	simm.s32 $0x80;
	[sflag:s3] =	ssyncset.done $0x0  }
0xb: {  	s7 =	simm.s32 $0x400;
	s5 =	sadd.s32 $0xC00, s8;
	[sflag:s3] =	ssyncadd.s32 $0xFFFFFC00  }
0xc: {  	[tilespmem:s7], [sflag:$0x1] =	stream.indirect.gather [hbm4b:s5+s6], $0x40, s2, s6, $0xb8;
	[tilespmem:$0x10400] =	vst v63  }
0xd: {  	s9 =	simm.s32 $0x8400;
	s8 =	sadd.s32 $0x10C00, s8  }
0xe: {  	[tilespmem:s9], [sflag:$0x1] =	stream.indirect.gather [hbm4b:s8+s6], $0x40, s2, s6, $0xb8;
	[tilespmem:$0x10400] =	vst v63  }
0xf: {  	s10 =	simm.s32 $0x2400  }
0x10: {  	[tilespmem:s10], [sflag:$0x1] =	stream.indirect.gather [hbm4b:s5+s6], $0x40, s6, s6, $0xb8;
	[tilespmem:$0x10400] =	vst v63  }
0x11: {  	s11 =	simm.s32 $0xA400  }
0x12: {  	[tilespmem:s11], [sflag:$0x1] =	stream.indirect.gather [hbm4b:s8+s6], $0x40, s6, s6, $0xb8;
	[tilespmem:$0x10400] =	vst v63  }
0x13: {  	s12 =	simm.s32 $0x100;
	s13 =	simm.s32 $0x4400  }
0x14: {  	[tilespmem:s13], [sflag:$0x1] =	stream.indirect.gather [hbm4b:s5+s6], $0x40, s12, s6, $0xb8;
	[tilespmem:$0x10400] =	vst v63  }
0x15: {  	s14 =	simm.s32 $0xC400  }
0x16: {  	[tilespmem:s14], [sflag:$0x1] =	stream.indirect.gather [hbm4b:s8+s6], $0x40, s12, s6, $0xb8;
	[tilespmem:$0x10400] =	vst v63  }
0x17: {  	s15 =	simm.s32 $0x180;
	s16 =	simm.s32 $0x6400  }
0x18: {  	[tilespmem:s16], [sflag:$0x1] =	stream.indirect.gather [hbm4b:s5+s6], $0x40, s15, s6, $0xb8;
	[tilespmem:$0x10400] =	vst v63  }
0x19: {  	s17 =	simm.s32 $0xE400;
	s18 =	simm.s32 $0x1  }
0x1a: {  	[tilespmem:s17], [sflag:$0x1] =	stream.indirect.gather [hbm4b:s8+s6], $0x40, s15, s6, $0xb8;
	[tilespmem:$0x10400] =	vst v63  }
0x1b: {  	_ =	swait.ge [sflag:s18], $0x2000  }
0x1c: {  	[sflag:s18] =	ssyncset.done $0x0  }
0x1d: {  	[sflag:s18] =	ssyncadd.s32 $0xFFFFE000  }
0x1e: {  	_ =	swait.ge [sflag:s18], $0x2000  }
0x1f: {  	[sflag:s18] =	ssyncset.done $0x0  }
0x20: {  	[sflag:s18] =	ssyncadd.s32 $0xFFFFE000  }
0x21: {  	_ =	swait.ge [sflag:s18], $0x2000  }
0x22: {  	[sflag:s18] =	ssyncset.done $0x0  }
0x23: {  	[sflag:s18] =	ssyncadd.s32 $0xFFFFE000  }
0x24: {  	_ =	swait.ge [sflag:s18], $0x2000  }
0x25: {  	[sflag:s18] =	ssyncset.done $0x0  }
0x26: {  	[sflag:s18] =	ssyncadd.s32 $0xFFFFE000  }
0x27: {  	_ =	swait.ge [sflag:s18], $0x2000  }
0x28: {  	[sflag:s18] =	ssyncset.done $0x0  }
0x29: {  	[sflag:s18] =	ssyncadd.s32 $0xFFFFE000  }
0x2a: {  	_ =	swait.ge [sflag:s18], $0x2000  }
0x2b: {  	[sflag:s18] =	ssyncset.done $0x0  }
0x2c: {  	[sflag:s18] =	ssyncadd.s32 $0xFFFFE000  }
0x2d: {  	_ =	swait.ge [sflag:s18], $0x2000  }
0x2e: {  	[sflag:s18] =	ssyncset.done $0x0  }
0x2f: {  	[sflag:s18] =	ssyncadd.s32 $0xFFFFE000  }
0x30: {  	_ =	swait.ge [sflag:s18], $0x2000  }
0x31: {  	s29 =	sshll.u32 s19, $0x3;
	[sflag:s18] =	ssyncset.done $0x0  }
0x32: {  	s19 =	sadd.s32 s25, s29;
	[sflag:s18] =	ssyncadd.s32 $0xFFFFE000  }
0x33: {  	[hbm4b:s19+s2] =	stream.linear.scatter [tilespmem:s7], [sflag:$0x2], $0x8000, $0x38;
	[tilespmem:$0x10400] =	vst v63  }
0x34: {  	_ =	swait.ge [sflag:s3], $0x8000  }
0x35: {  	[sflag:s3] =	ssyncset.done $0x0  }
0x36: {  	s20 =	sadd.s32 s26, s29;
	[sflag:s3] =	ssyncadd.s32 $0xFFFF8000  }
0x37: {  	[hbm4b:s20+s2] =	stream.linear.scatter [tilespmem:s9], [sflag:$0x2], $0x8000, $0x38;
	[tilespmem:$0x10400] =	vst v63  }
0x38: {  	_ =	swait.ge [sflag:s3], $0x8000  }
0x39: {  	[sflag:s3] =	ssyncset.done $0x0  }
0x3a: {  	s21 =	simm.s32 $0x200;
	[sflag:s3] =	ssyncadd.s32 $0xFFFF8000  }
0x3b: {  	[tilespmem:s7], [sflag:$0x1] =	stream.indirect.gather [hbm4b:s5+s6], $0x40, s21, s6, $0xb8;
	[tilespmem:$0x10400] =	vst v63  }
0x3c: {  	_ = 	snop  }
0x3d: {  	[tilespmem:s9], [sflag:$0x1] =	stream.indirect.gather [hbm4b:s8+s6], $0x40, s21, s6, $0xb8;
	[tilespmem:$0x10400] =	vst v63  }
0x3e: {  	s22 =	simm.s32 $0x280  }
0x3f: {  	[tilespmem:s10], [sflag:$0x1] =	stream.indirect.gather [hbm4b:s5+s6], $0x40, s22, s6, $0xb8;
	[tilespmem:$0x10400] =	vst v63  }
0x40: {  	_ = 	snop  }
0x41: {  	[tilespmem:s11], [sflag:$0x1] =	stream.indirect.gather [hbm4b:s8+s6], $0x40, s22, s6, $0xb8;
	[tilespmem:$0x10400] =	vst v63  }
0x42: {  	s23 =	simm.s32 $0x300  }
0x43: {  	[tilespmem:s13], [sflag:$0x1] =	stream.indirect.gather [hbm4b:s5+s6], $0x40, s23, s6, $0xb8;
	[tilespmem:$0x10400] =	vst v63  }
0x44: {  	_ = 	snop  }
0x45: {  	[tilespmem:s14], [sflag:$0x1] =	stream.indirect.gather [hbm4b:s8+s6], $0x40, s23, s6, $0xb8;
	[tilespmem:$0x10400] =	vst v63  }
0x46: {  	s24 =	simm.s32 $0x380  }
0x47: {  	[tilespmem:s16], [sflag:$0x1] =	stream.indirect.gather [hbm4b:s5+s6], $0x40, s24, s6, $0xb8;
	[tilespmem:$0x10400] =	vst v63  }
0x48: {  	_ = 	snop  }
0x49: {  	[tilespmem:s17], [sflag:$0x1] =	stream.indirect.gather [hbm4b:s8+s6], $0x40, s24, s6, $0xb8;
	[tilespmem:$0x10400] =	vst v63  }
0x4a: {  	_ =	swait.ge [sflag:s18], $0x2000  }
0x4b: {  	[sflag:s18] =	ssyncset.done $0x0  }
0x4c: {  	[sflag:s18] =	ssyncadd.s32 $0xFFFFE000  }
0x4d: {  	_ =	swait.ge [sflag:s18], $0x2000  }
0x4e: {  	[sflag:s18] =	ssyncset.done $0x0  }
0x4f: {  	[sflag:s18] =	ssyncadd.s32 $0xFFFFE000  }
0x50: {  	_ =	swait.ge [sflag:s18], $0x2000  }
0x51: {  	[sflag:s18] =	ssyncset.done $0x0  }
0x52: {  	[sflag:s18] =	ssyncadd.s32 $0xFFFFE000  }
0x53: {  	_ =	swait.ge [sflag:s18], $0x2000  }
0x54: {  	[sflag:s18] =	ssyncset.done $0x0  }
0x55: {  	[sflag:s18] =	ssyncadd.s32 $0xFFFFE000  }
0x56: {  	_ =	swait.ge [sflag:s18], $0x2000  }
0x57: {  	[sflag:s18] =	ssyncset.done $0x0  }
0x58: {  	[sflag:s18] =	ssyncadd.s32 $0xFFFFE000  }
0x59: {  	_ =	swait.ge [sflag:s18], $0x2000  }
0x5a: {  	[sflag:s18] =	ssyncset.done $0x0  }
0x5b: {  	[sflag:s18] =	ssyncadd.s32 $0xFFFFE000  }
0x5c: {  	_ =	swait.ge [sflag:s18], $0x2000  }
0x5d: {  	[sflag:s18] =	ssyncset.done $0x0  }
0x5e: {  	s28 =	ssub.s32 $0x2, s28;
	[sflag:s18] =	ssyncadd.s32 $0xFFFFE000  }
0x5f: {  	s30 =	sshrl.u32 s28, $0x1;
	_ =	swait.ge [sflag:s18], $0x2000  }
0x60: {  	s28 =	ssub.s32 s28, s30;
	s29 =	sor.u32 $0x1000, s29;
	[sflag:s18] =	ssyncset.done $0x0  }
0x61: {  	s28 =	smax.u32 s28, $0x1;
	s25 =	sadd.s32 s25, s29;
	[sflag:s18] =	ssyncadd.s32 $0xFFFFE000  }
0x62: {  	[hbm4b:s25+s2] =	stream.linear.scatter [tilespmem:s7], [sflag:$0x2], $0x8000, $0x38;
	[tilespmem:$0x10400] =	vst v63  }
0x63: {  	p0 =	sne.s32 s28, $0x1;
	_ =	swait.ge [sflag:s3], $0x8000  }
.Ltmp0:
0x64: {  	[sflag:s3] =	ssyncset.done $0x0;
	(pc) =	sbr.rel @!p0 .LBB2_2-.Ltmp0, $4  }
0x65: {  	s26 =	sadd.s32 s26, s29;
	[sflag:s3] =	ssyncadd.s32 $0xFFFF8000  }
0x66: {  	[hbm4b:s26+s2] =	stream.linear.scatter [tilespmem:s9], [sflag:$0x2], $0x8000, $0x38;
	[tilespmem:$0x10400] =	vst v63  }
0x67: {  	_ =	swait.ge [sflag:s3], $0x8000  }
0x68: {  	s28 =	sadd.s32 $0xFFFFFFFF, s28;
	[sflag:s3] =	ssyncset.done $0x0  }
.LBB2_1:
0x69: {  	p0 =	sne.s32 s28, $0x1;
	s28 =	sadd.s32 $0xFFFFFFFF, s28;
	[sflag:s3] =	ssyncadd.s32 $0xFFFF8000  }
0x6a: {  	[tilespmem:s2], [sflag:$0x2] =	stream.linear.gather [hbm4b:s4+s2], $0x400, $0x38;
	[tilespmem:$0x10400] =	vst v63  }
0x6b: {  	_ =	swait.ge [sflag:s3], $0x400  }
0x6c: {  	[sflag:s3] =	ssyncset.done $0x0  }
0x6d: {  	[sflag:s3] =	ssyncadd.s32 $0xFFFFFC00  }
0x6e: {  	[tilespmem:s7], [sflag:$0x1] =	stream.indirect.gather [hbm4b:s5+s6], $0x40, s2, s6, $0xb8;
	[tilespmem:$0x10400] =	vst v63  }
0x6f: {  	_ = 	snop  }
0x70: {  	[tilespmem:s9], [sflag:$0x1] =	stream.indirect.gather [hbm4b:s8+s6], $0x40, s2, s6, $0xb8;
	[tilespmem:$0x10400] =	vst v63  }
0x71: {  	_ = 	snop  }
0x72: {  	[tilespmem:s10], [sflag:$0x1] =	stream.indirect.gather [hbm4b:s5+s6], $0x40, s6, s6, $0xb8;
	[tilespmem:$0x10400] =	vst v63  }
0x73: {  	_ = 	snop  }
0x74: {  	[tilespmem:s11], [sflag:$0x1] =	stream.indirect.gather [hbm4b:s8+s6], $0x40, s6, s6, $0xb8;
	[tilespmem:$0x10400] =	vst v63  }
0x75: {  	_ = 	snop  }
0x76: {  	[tilespmem:s13], [sflag:$0x1] =	stream.indirect.gather [hbm4b:s5+s6], $0x40, s12, s6, $0xb8;
	[tilespmem:$0x10400] =	vst v63  }
0x77: {  	_ = 	snop  }
0x78: {  	[tilespmem:s14], [sflag:$0x1] =	stream.indirect.gather [hbm4b:s8+s6], $0x40, s12, s6, $0xb8;
	[tilespmem:$0x10400] =	vst v63  }
0x79: {  	_ = 	snop  }
0x7a: {  	[tilespmem:s16], [sflag:$0x1] =	stream.indirect.gather [hbm4b:s5+s6], $0x40, s15, s6, $0xb8;
	[tilespmem:$0x10400] =	vst v63  }
0x7b: {  	_ = 	snop  }
0x7c: {  	[tilespmem:s17], [sflag:$0x1] =	stream.indirect.gather [hbm4b:s8+s6], $0x40, s15, s6, $0xb8;
	[tilespmem:$0x10400] =	vst v63  }
0x7d: {  	_ =	swait.ge [sflag:s18], $0x2000  }
0x7e: {  	[sflag:s18] =	ssyncset.done $0x0  }
0x7f: {  	[sflag:s18] =	ssyncadd.s32 $0xFFFFE000  }
0x80: {  	_ =	swait.ge [sflag:s18], $0x2000  }
0x81: {  	[sflag:s18] =	ssyncset.done $0x0  }
0x82: {  	[sflag:s18] =	ssyncadd.s32 $0xFFFFE000  }
0x83: {  	_ =	swait.ge [sflag:s18], $0x2000  }
0x84: {  	[sflag:s18] =	ssyncset.done $0x0  }
0x85: {  	[sflag:s18] =	ssyncadd.s32 $0xFFFFE000  }
0x86: {  	_ =	swait.ge [sflag:s18], $0x2000  }
0x87: {  	[sflag:s18] =	ssyncset.done $0x0  }
0x88: {  	[sflag:s18] =	ssyncadd.s32 $0xFFFFE000  }
0x89: {  	_ =	swait.ge [sflag:s18], $0x2000  }
0x8a: {  	[sflag:s18] =	ssyncset.done $0x0  }
0x8b: {  	[sflag:s18] =	ssyncadd.s32 $0xFFFFE000  }
0x8c: {  	_ =	swait.ge [sflag:s18], $0x2000  }
0x8d: {  	[sflag:s18] =	ssyncset.done $0x0  }
0x8e: {  	[sflag:s18] =	ssyncadd.s32 $0xFFFFE000  }
0x8f: {  	_ =	swait.ge [sflag:s18], $0x2000  }
0x90: {  	[sflag:s18] =	ssyncset.done $0x0  }
0x91: {  	[sflag:s18] =	ssyncadd.s32 $0xFFFFE000  }
0x92: {  	_ =	swait.ge [sflag:s18], $0x2000  }
0x93: {  	[sflag:s18] =	ssyncset.done $0x0  }
0x94: {  	[sflag:s18] =	ssyncadd.s32 $0xFFFFE000  }
0x95: {  	[hbm4b:s19+s2] =	stream.linear.scatter [tilespmem:s7], [sflag:$0x2], $0x8000, $0x38;
	[tilespmem:$0x10400] =	vst v63  }
0x96: {  	_ =	swait.ge [sflag:s3], $0x8000  }
0x97: {  	[sflag:s3] =	ssyncset.done $0x0  }
0x98: {  	[sflag:s3] =	ssyncadd.s32 $0xFFFF8000  }
0x99: {  	[hbm4b:s20+s2] =	stream.linear.scatter [tilespmem:s9], [sflag:$0x2], $0x8000, $0x38;
	[tilespmem:$0x10400] =	vst v63  }
0x9a: {  	_ =	swait.ge [sflag:s3], $0x8000  }
0x9b: {  	[sflag:s3] =	ssyncset.done $0x0  }
0x9c: {  	[sflag:s3] =	ssyncadd.s32 $0xFFFF8000  }
0x9d: {  	[tilespmem:s7], [sflag:$0x1] =	stream.indirect.gather [hbm4b:s5+s6], $0x40, s21, s6, $0xb8;
	[tilespmem:$0x10400] =	vst v63  }
0x9e: {  	_ = 	snop  }
0x9f: {  	[tilespmem:s9], [sflag:$0x1] =	stream.indirect.gather [hbm4b:s8+s6], $0x40, s21, s6, $0xb8;
	[tilespmem:$0x10400] =	vst v63  }
0xa0: {  	_ = 	snop  }
0xa1: {  	[tilespmem:s10], [sflag:$0x1] =	stream.indirect.gather [hbm4b:s5+s6], $0x40, s22, s6, $0xb8;
	[tilespmem:$0x10400] =	vst v63  }
0xa2: {  	_ = 	snop  }
0xa3: {  	[tilespmem:s11], [sflag:$0x1] =	stream.indirect.gather [hbm4b:s8+s6], $0x40, s22, s6, $0xb8;
	[tilespmem:$0x10400] =	vst v63  }
0xa4: {  	_ = 	snop  }
0xa5: {  	[tilespmem:s13], [sflag:$0x1] =	stream.indirect.gather [hbm4b:s5+s6], $0x40, s23, s6, $0xb8;
	[tilespmem:$0x10400] =	vst v63  }
0xa6: {  	_ = 	snop  }
0xa7: {  	[tilespmem:s14], [sflag:$0x1] =	stream.indirect.gather [hbm4b:s8+s6], $0x40, s23, s6, $0xb8;
	[tilespmem:$0x10400] =	vst v63  }
0xa8: {  	_ = 	snop  }
0xa9: {  	[tilespmem:s16], [sflag:$0x1] =	stream.indirect.gather [hbm4b:s5+s6], $0x40, s24, s6, $0xb8;
	[tilespmem:$0x10400] =	vst v63  }
0xaa: {  	_ = 	snop  }
0xab: {  	[tilespmem:s17], [sflag:$0x1] =	stream.indirect.gather [hbm4b:s8+s6], $0x40, s24, s6, $0xb8;
	[tilespmem:$0x10400] =	vst v63  }
0xac: {  	_ =	swait.ge [sflag:s18], $0x2000  }
0xad: {  	[sflag:s18] =	ssyncset.done $0x0  }
0xae: {  	[sflag:s18] =	ssyncadd.s32 $0xFFFFE000  }
0xaf: {  	_ =	swait.ge [sflag:s18], $0x2000  }
0xb0: {  	[sflag:s18] =	ssyncset.done $0x0  }
0xb1: {  	[sflag:s18] =	ssyncadd.s32 $0xFFFFE000  }
0xb2: {  	_ =	swait.ge [sflag:s18], $0x2000  }
0xb3: {  	[sflag:s18] =	ssyncset.done $0x0  }
0xb4: {  	[sflag:s18] =	ssyncadd.s32 $0xFFFFE000  }
0xb5: {  	_ =	swait.ge [sflag:s18], $0x2000  }
0xb6: {  	[sflag:s18] =	ssyncset.done $0x0  }
0xb7: {  	[sflag:s18] =	ssyncadd.s32 $0xFFFFE000  }
0xb8: {  	_ =	swait.ge [sflag:s18], $0x2000  }
0xb9: {  	[sflag:s18] =	ssyncset.done $0x0  }
0xba: {  	[sflag:s18] =	ssyncadd.s32 $0xFFFFE000  }
0xbb: {  	_ =	swait.ge [sflag:s18], $0x2000  }
0xbc: {  	[sflag:s18] =	ssyncset.done $0x0  }
0xbd: {  	[sflag:s18] =	ssyncadd.s32 $0xFFFFE000  }
0xbe: {  	_ =	swait.ge [sflag:s18], $0x2000  }
0xbf: {  	[sflag:s18] =	ssyncset.done $0x0  }
0xc0: {  	[sflag:s18] =	ssyncadd.s32 $0xFFFFE000  }
0xc1: {  	_ =	swait.ge [sflag:s18], $0x2000  }
0xc2: {  	[sflag:s18] =	ssyncset.done $0x0  }
0xc3: {  	[sflag:s18] =	ssyncadd.s32 $0xFFFFE000  }
0xc4: {  	[hbm4b:s25+s2] =	stream.linear.scatter [tilespmem:s7], [sflag:$0x2], $0x8000, $0x38;
	[tilespmem:$0x10400] =	vst v63  }
0xc5: {  	_ =	swait.ge [sflag:s3], $0x8000  }
.Ltmp1:
0xc6: {  	[sflag:s3] =	ssyncset.done $0x0;
	(pc) =	sbr.rel @p0 .LBB2_1-.Ltmp1, $4  }
0xc7: {  	[sflag:s3] =	ssyncadd.s32 $0xFFFF8000  }
0xc8: {  	[hbm4b:s26+s2] =	stream.linear.scatter [tilespmem:s9], [sflag:$0x2], $0x8000, $0x38;
	[tilespmem:$0x10400] =	vst v63  }
0xc9: {  	_ =	swait.ge [sflag:s3], $0x8000  }
0xca: {  	[sflag:s3] =	ssyncset.done $0x0  }
.LBB2_2:
0xcb: {  	[sflag:s3] =	ssyncadd.s32 $0xFFFF8000  }
0xcc: {  	_ =	sfence.sel $0x180000  }
0xcd: {  	[bflag:$0x0] =	sbarrier.arrive $0xFFFF  }
0xce: {  	p0 =	sne.s32 s0, $0x0;
	_ =	strace $0x90000047  }
0xcf: {  	s0 =	sadd.s32 @!p0 $0x100000, s1;
	[bflag:$0x2] =	sbarrier.arrive $0xFFFF  }
0xd0: {  	[sflag:s0] =	ssyncadd.tile.s32 @!p0 $0x1;
	_ =	shalt  }
.Lfunc_end2:
_tile_overlayer_lowered:
.L_overlay_start_2:
0xd1: {  	(tag) =	ssettag $0x2  }
0xd2: {  	s0 =	rddreg [dreg:$0x0];
	s2 =	stileid.u32  }
0xd3: {  	s1 =	rddreg [dreg:$0x1];
	p0 =	sne.s32 s2, $0x0  }
0xd4: {  	s3 =	rddreg [dreg:$0x2];
	[bflag:$0x3] =	sbarrier.arrive $0xFFFF;
	s2 =	simm.s32 @!p0 $0x1C02  }
0xd5: {  	[timem:s3], [sflag:s2] =	dma.local @!p0 [hbm:s0], s1  }
0xd6: {  	s0 =	simm.s32 @!p0 $0x2  }
0xd7: {  	_ =	swait.ge @!p0 [sflag:s0], s1  }
0xd8: {  	s1 =	ssub.s32 @!p0 $0x0, s1;
	[sflag:s0] =	ssyncset.done @!p0 $0x0  }
0xd9: {  	[sflag:s0] =	ssyncadd.s32 @!p0 s1  }
0xda: {  	[bflag:$0x3] =	sbarrier.arrive $0xFFFF  }
0xdb: {  	_ =	shalt  }

</sc_bundles>
